<compile_context>
chip_gen: v7x
topology: tpu7x:2x2x1
jax: 0.10.2.dev20260603
libtpu: 0.0.44.dev20260713+nightly
codegen_flags: <defaults>
</compile_context>

<pallas_src>
import functools

import jax
import jax.numpy as jnp
from jax import lax
from jax.experimental import pallas as pl
from jax.experimental.pallas import tpu as pltpu
from jax.experimental.pallas import tpu_sc as plsc

N = 10000
E = 320000
D = 128
H = 128
C = 10
G = 128
BN_EPS = 1e-5

NC = 2
NS = 16
NW = NC * NS
K = 128
CH = (E + NW * K - 1) // (NW * K)
E_PAD = NW * CH * K
N_PAD = 10240
RPT = N_PAD // NS
RCH = RPT // K
BM = 512
NB = N_PAD // BM


@functools.cache
def _make_sc_agg():
    mesh = plsc.VectorSubcoreMesh(
        core_axis_name="c", subcore_axis_name="s",
        num_cores=NC, num_subcores=NS)

    @functools.partial(
        pl.kernel,
        out_type=jax.ShapeDtypeStruct((NC * N_PAD, D), jnp.float32),
        mesh=mesh,
        scratch_types=[
            pltpu.VMEM((CH, K), jnp.int32),
            pltpu.VMEM((CH, K), jnp.int32),
            pltpu.VMEM((K, D), jnp.float32),
            pltpu.VMEM_SHARED((N_PAD, D), jnp.float32),
            pltpu.SemaphoreType.DMA,
        ],
    )
    def _sc_agg(x_hbm, src_hbm, dst_hbm, zeros_hbm, out_hbm,
                src_v, dst_v, rows_v, acc, sem):
        cid = lax.axis_index("c")
        sid = lax.axis_index("s")
        w = cid * NS + sid
        row0 = sid * RPT

        pltpu.sync_copy(zeros_hbm, rows_v)

        def zbody(r, carry):
            pltpu.sync_copy(rows_v, acc.at[pl.ds(row0 + r * K, K)])
            return carry

        lax.fori_loop(0, RCH, zbody, 0)

        pltpu.sync_copy(src_hbm.at[w], src_v)
        pltpu.sync_copy(dst_hbm.at[w], dst_v)
        plsc.subcore_barrier()

        def body(c, carry):
            pltpu.async_copy(x_hbm.at[src_v.at[c]], rows_v, sem).wait()
            pltpu.sync_copy(rows_v, acc.at[dst_v.at[c]], add=True)
            return carry

        lax.fori_loop(0, CH, body, 0)
        plsc.subcore_barrier()

        def wbody(r, carry):
            pltpu.sync_copy(acc.at[pl.ds(row0 + r * K, K)], rows_v)
            pltpu.sync_copy(
                rows_v, out_hbm.at[pl.ds(cid * N_PAD + row0 + r * K, K)])
            return carry

        lax.fori_loop(0, RCH, wbody, 0)

    return _sc_agg


def _mlp_body(x_ref, a_ref, w1_ref, b1_ref, w2_ref, b2_ref, o_ref):
    h = x_ref[...] + a_ref[0] + a_ref[1]
    t = jnp.dot(h, w1_ref[...], preferred_element_type=jnp.float32)
    t = jnp.maximum(t + b1_ref[...], 0.0)
    o = jnp.dot(t, w2_ref[...], preferred_element_type=jnp.float32)
    o_ref[...] = jnp.maximum(o + b2_ref[...], 0.0)


_mlp_call = pl.pallas_call(
    _mlp_body,
    grid=(NB,),
    in_specs=[
        pl.BlockSpec((BM, D), lambda i: (i, 0)),
        pl.BlockSpec((NC, BM, D), lambda i: (0, i, 0)),
        pl.BlockSpec((D, H), lambda i: (0, 0)),
        pl.BlockSpec((1, H), lambda i: (0, 0)),
        pl.BlockSpec((H, H), lambda i: (0, 0)),
        pl.BlockSpec((1, H), lambda i: (0, 0)),
    ],
    out_specs=pl.BlockSpec((BM, H), lambda i: (i, 0)),
    out_shape=jax.ShapeDtypeStruct((N_PAD, H), jnp.float32),
)


def _pool_body(h_ref, b_ref, l1w_ref, l1b_ref, l2w_ref, l2b_ref, o_ref, acc):
    i = pl.program_id(0)

    @pl.when(i == 0)
    def _():
        acc[...] = jnp.zeros((G, H), jnp.float32)

    b = b_ref[0, 0, :]
    gids = lax.broadcasted_iota(jnp.int32, (G, BM), 0)
    onehot = (gids == b[None, :]).astype(jnp.float32)
    acc[...] += jnp.dot(onehot, h_ref[...], preferred_element_type=jnp.float32)

    @pl.when(i == NB - 1)
    def _():
        t = jnp.dot(acc[...], l1w_ref[...], preferred_element_type=jnp.float32)
        t = jnp.maximum(t + l1b_ref[...], 0.0)
        o_ref[...] = jnp.dot(t, l2w_ref[...],
                             preferred_element_type=jnp.float32) + l2b_ref[...]


_pool_call = pl.pallas_call(
    _pool_body,
    grid=(NB,),
    in_specs=[
        pl.BlockSpec((BM, H), lambda i: (i, 0)),
        pl.BlockSpec((1, 1, BM), lambda i: (i, 0, 0)),
        pl.BlockSpec((H, H), lambda i: (0, 0)),
        pl.BlockSpec((1, H), lambda i: (0, 0)),
        pl.BlockSpec((H, H), lambda i: (0, 0)),
        pl.BlockSpec((1, H), lambda i: (0, 0)),
    ],
    out_specs=pl.BlockSpec((G, H), lambda i: (0, 0)),
    out_shape=jax.ShapeDtypeStruct((G, H), jnp.float32),
    scratch_shapes=[pltpu.VMEM((G, H), jnp.float32)],
)


def kernel(x, edge_index, batch,
           c1_w1, c1_b1, c1_g, c1_be, c1_w2, c1_b2,
           c2_w1, c2_b1, c2_g, c2_be, c2_w2, c2_b2,
           c3_w1, c3_b1, c3_g, c3_be, c3_w2, c3_b2,
           l1_w, l1_b, l2_w, l2_b):
    src = jnp.concatenate(
        [edge_index[0], jnp.zeros((E_PAD - E,), jnp.int32)]).reshape(NW, CH, K)
    dst = jnp.concatenate(
        [edge_index[1],
         jnp.full((E_PAD - E,), N_PAD - 1, jnp.int32)]).reshape(NW, CH, K)
    batch_p = jnp.concatenate(
        [batch, jnp.full((N_PAD - N,), G, jnp.int32)]).reshape(NB, 1, BM)
    zeros = jnp.zeros((K, D), jnp.float32)

    h = jnp.zeros((N_PAD, D), jnp.float32).at[:N].set(x)

    layers = [
        (c1_w1, c1_b1, c1_g, c1_be, c1_w2, c1_b2),
        (c2_w1, c2_b1, c2_g, c2_be, c2_w2, c2_b2),
        (c3_w1, c3_b1, c3_g, c3_be, c3_w2, c3_b2),
    ]
    sc_agg = _make_sc_agg()
    for w1, b1, g, be, w2, b2 in layers:
        s = g / jnp.sqrt(1.0 + BN_EPS)
        w1f = w1 * s[None, :]
        b1f = (b1 * s + be).reshape(1, H)
        agg = sc_agg(h, src, dst, zeros)
        h = _mlp_call(h, agg.reshape(NC, N_PAD, D), w1f, b1f, w2,
                      b2.reshape(1, H))

    l2_wp = jnp.zeros((H, H), jnp.float32).at[:, :C].set(l2_w)
    l2_bp = jnp.zeros((1, H), jnp.float32).at[0, :C].set(l2_b)
    out = _pool_call(h, batch_p, l1_w, l1_b.reshape(1, H), l2_wp, l2_bp)
    return out[:, :C]

# --- scband reference (transcript-rebuilt; emitter-appended) ---
"""Pipeline reference for scband-gin-3315714752817 (READ-ONLY COPY).

The authoritative reference and input builder live on the scoring server;
editing this copy changes nothing except your own understanding.
"""

import jax, jax.numpy as jnp
import numpy as np

N = 10000
E = 320000
D = 128
H = 128
C = 10
G = 128
BN_EPS = 1e-5


def _lin_params(key, fan_in, fan_out):
    k1, k2 = jax.random.split(key)
    bound = 1.0 / np.sqrt(fan_in)
    w = jax.random.uniform(k1, (fan_in, fan_out), minval=-bound, maxval=bound, dtype=jnp.float32)
    b = jax.random.uniform(k2, (fan_out,), minval=-bound, maxval=bound, dtype=jnp.float32)
    return w, b


def setup_inputs(seed: int = 0) -> dict:
    key = jax.random.key(seed)
    ks = jax.random.split(key, 16)
    x = jax.random.normal(ks[0], (N, D), dtype=jnp.float32)
    edge_index = jax.random.randint(ks[1], (2, E), 0, N, dtype=jnp.int32)
    batch = jnp.sort(jax.random.randint(ks[2], (N,), 0, G, dtype=jnp.int32))
    inp = {"x": x, "edge_index": edge_index, "batch": batch}
    dims = [(D, H), (H, H), (H, H)]
    for i, (din, dh) in enumerate(dims, start=1):
        w1, b1 = _lin_params(ks[2 + 2 * i], din, dh)
        w2, b2 = _lin_params(ks[3 + 2 * i], dh, dh)
        inp[f"c{i}_w1"] = w1
        inp[f"c{i}_b1"] = b1
        inp[f"c{i}_g"] = jnp.ones((dh,), dtype=jnp.float32)
        inp[f"c{i}_be"] = jnp.zeros((dh,), dtype=jnp.float32)
        inp[f"c{i}_w2"] = w2
        inp[f"c{i}_b2"] = b2
    l1_w, l1_b = _lin_params(ks[12], H, H)
    l2_w, l2_b = _lin_params(ks[13], H, C)
    inp["l1_w"] = l1_w
    inp["l1_b"] = l1_b
    inp["l2_w"] = l2_w
    inp["l2_b"] = l2_b
    return inp


def _gin_conv(x, edge_index, w1, b1, g, be, w2, b2):
    src, dst = edge_index[0], edge_index[1]
    # sum-aggregate neighbor features (scatter-add)
    agg = jnp.zeros_like(x).at[dst].add(x[src])
    h = x + agg  # (1 + eps) * x + agg, eps = 0 (GINConv default)
    h = h @ w1 + b1
    # BatchNorm1d in eval mode: running_mean=0, running_var=1
    h = h * (g / jnp.sqrt(1.0 + BN_EPS)) + be
    h = jax.nn.relu(h)
    h = h @ w2 + b2
    h = jax.nn.relu(h)
    return h


def reference(x, edge_index, batch,
              c1_w1, c1_b1, c1_g, c1_be, c1_w2, c1_b2,
              c2_w1, c2_b1, c2_g, c2_be, c2_w2, c2_b2,
              c3_w1, c3_b1, c3_g, c3_be, c3_w2, c3_b2,
              l1_w, l1_b, l2_w, l2_b):
    h = _gin_conv(x, edge_index, c1_w1, c1_b1, c1_g, c1_be, c1_w2, c1_b2)
    h = _gin_conv(h, edge_index, c2_w1, c2_b1, c2_g, c2_be, c2_w2, c2_b2)
    h = _gin_conv(h, edge_index, c3_w1, c3_b1, c3_g, c3_be, c3_w2, c3_b2)
    # global_add_pool: segment-sum over graph ids
    pooled = jax.ops.segment_sum(h, batch, num_segments=G)
    out = jax.nn.relu(pooled @ l1_w + l1_b)
    # dropout p=0.5 is identity in eval mode
    out = out @ l2_w + l2_b
    return out

if __name__ == "__main__":
    import jax
    _d = setup_inputs()
    print(jax.jit(kernel)(*tuple(_d.values())))

</pallas_src>

<mosaic_0001>
#map = affine_map<(d0, d1) -> (0, 0)>
#map1 = affine_map<(d0, d1) -> (0, 0, 0)>
module attributes {stable_mosaic.version = 14 : i64} {
  func.func @_sc_agg(%arg0: i32, %arg1: i32, %arg2: memref<10240x128xf32, #tpu.memory_space<hbm>>, %arg3: memref<32x79x128xi32, #tpu.memory_space<hbm>>, %arg4: memref<32x79x128xi32, #tpu.memory_space<hbm>>, %arg5: memref<128x128xf32, #tpu.memory_space<hbm>>, %arg6: memref<20480x128xf32, #tpu.memory_space<hbm>>, %arg7: memref<79x128xi32, #tpu.memory_space<vmem>>, %arg8: memref<79x128xi32, #tpu.memory_space<vmem>>, %arg9: memref<128x128xf32, #tpu.memory_space<vmem>>, %arg10: memref<10240x128xf32, #tpu.memory_space<vmem_shared>>, %arg11: memref<!tpu.dma_semaphore, #tpu.memory_space<semaphore_mem>>) attributes {dimension_semantics = [#tpu.dimension_semantics<core_parallel>, #tpu.dimension_semantics<subcore_parallel>], iteration_bounds = array<i64: 2, 16>, scalar_prefetch = 0 : i64, scratch_operands = 5 : i64, tpu.core_type = #tpu.core_type<sc_vector_subcore>, window_params = [{transform_indices = #map}, {transform_indices = #map1}, {transform_indices = #map1}, {transform_indices = #map}, {transform_indices = #map}]} {
    %mul3A = arith.constant 16 : i32
    %mul3A_0 = arith.muli %arg0, %mul3A : i32
    %add3A = arith.addi %mul3A_0, %arg1 : i32
    %mul3A_1 = arith.constant 640 : i32
    %mul3A_2 = arith.muli %arg1, %mul3A_1 : i32
    "tpu.region"() ({
      %run_scoped3A = tpu.sem_alloc : memref<!tpu.dma_semaphore, #tpu.memory_space<semaphore_mem>>
      tpu.enqueue_dma source(%arg5 : memref<128x128xf32, #tpu.memory_space<hbm>>) target(%arg9 : memref<128x128xf32, #tpu.memory_space<vmem>>) target_semaphore(%run_scoped3A : memref<!tpu.dma_semaphore, #tpu.memory_space<semaphore_mem>>)
      tpu.wait_dma2 semaphore(%run_scoped3A : memref<!tpu.dma_semaphore, #tpu.memory_space<semaphore_mem>>) src(%arg5 : memref<128x128xf32, #tpu.memory_space<hbm>>) dst(%arg9 : memref<128x128xf32, #tpu.memory_space<vmem>>)
      tpu.yield
    }) : () -> ()
    %scan3A = arith.constant 0 : i32
    %scan3A_3 = arith.constant 0 : i32
    %scan3A_4 = arith.constant 5 : i32
    %scan3A_5 = arith.addi %scan3A_3, %scan3A_4 : i32
    %scan3A_6 = arith.constant 1 : i32
    scf.for %scan3A_21 = %scan3A_3 to %scan3A_5 step %scan3A_6  : i32 {
      %mul3A_22 = arith.constant 128 : i32
      %mul3A_23 = arith.muli %scan3A_21, %mul3A_22 : i32
      %add3A_24 = arith.addi %mul3A_2, %mul3A_23 : i32
      "tpu.region"() ({
        %run_scoped3A = tpu.sem_alloc : memref<!tpu.dma_semaphore, #tpu.memory_space<semaphore_mem>>
        %dma_start3A = arith.constant 0 : i32
        %dma_start3A_25 = tpu.memref_slice %arg10[%add3A_24, %dma_start3A] : memref<10240x128xf32, #tpu.memory_space<vmem_shared>> -> memref<128x128xf32, #tpu.memory_space<vmem_shared>>
        %dma_start3A_26 = arith.constant 0 : i32
        %dma_start3A_27 = tpu.memref_slice %arg10[%add3A_24, %dma_start3A_26] : memref<10240x128xf32, #tpu.memory_space<vmem_shared>> -> memref<128x128xf32, #tpu.memory_space<vmem_shared>>
        tpu.enqueue_dma source(%arg9 : memref<128x128xf32, #tpu.memory_space<vmem>>) target(%dma_start3A_27 : memref<128x128xf32, #tpu.memory_space<vmem_shared>>) target_semaphore(%run_scoped3A : memref<!tpu.dma_semaphore, #tpu.memory_space<semaphore_mem>>)
        %dma_wait3A = arith.constant 0 : i32
        %dma_wait3A_28 = tpu.memref_slice %arg10[%add3A_24, %dma_wait3A] : memref<10240x128xf32, #tpu.memory_space<vmem_shared>> -> memref<128x128xf32, #tpu.memory_space<vmem_shared>>
        %dma_wait3A_29 = arith.constant 0 : i32
        %dma_wait3A_30 = tpu.memref_slice %arg10[%add3A_24, %dma_wait3A_29] : memref<10240x128xf32, #tpu.memory_space<vmem_shared>> -> memref<128x128xf32, #tpu.memory_space<vmem_shared>>
        tpu.wait_dma2 semaphore(%run_scoped3A : memref<!tpu.dma_semaphore, #tpu.memory_space<semaphore_mem>>) src(%arg9 : memref<128x128xf32, #tpu.memory_space<vmem>>) dst(%dma_wait3A_30 : memref<128x128xf32, #tpu.memory_space<vmem_shared>>)
        tpu.yield
      }) : () -> ()
    }
    %scan3A_7 = arith.constant 5 : i32
    "tpu.region"() ({
      %run_scoped3A = tpu.sem_alloc : memref<!tpu.dma_semaphore, #tpu.memory_space<semaphore_mem>>
      %dma_start3A = arith.constant 0 : i32
      %dma_start3A_21 = arith.constant 0 : i32
      %dma_start3A_22 = tpu.memref_slice %arg3[%add3A, %dma_start3A, %dma_start3A_21] : memref<32x79x128xi32, #tpu.memory_space<hbm>> -> memref<1x79x128xi32, #tpu.memory_space<hbm>>
      %dma_start3A_23 = tpu.memref_squeeze %dma_start3A_22 : memref<1x79x128xi32, #tpu.memory_space<hbm>> -> memref<79x128xi32, #tpu.memory_space<hbm>>
      %dma_start3A_24 = arith.constant 0 : i32
      %dma_start3A_25 = arith.constant 0 : i32
      %dma_start3A_26 = tpu.memref_slice %arg3[%add3A, %dma_start3A_24, %dma_start3A_25] : memref<32x79x128xi32, #tpu.memory_space<hbm>> -> memref<1x79x128xi32, #tpu.memory_space<hbm>>
      %dma_start3A_27 = tpu.memref_squeeze %dma_start3A_26 : memref<1x79x128xi32, #tpu.memory_space<hbm>> -> memref<79x128xi32, #tpu.memory_space<hbm>>
      tpu.enqueue_dma source(%dma_start3A_27 : memref<79x128xi32, #tpu.memory_space<hbm>>) target(%arg7 : memref<79x128xi32, #tpu.memory_space<vmem>>) target_semaphore(%run_scoped3A : memref<!tpu.dma_semaphore, #tpu.memory_space<semaphore_mem>>)
      %dma_wait3A = arith.constant 0 : i32
      %dma_wait3A_28 = arith.constant 0 : i32
      %dma_wait3A_29 = tpu.memref_slice %arg3[%add3A, %dma_wait3A, %dma_wait3A_28] : memref<32x79x128xi32, #tpu.memory_space<hbm>> -> memref<1x79x128xi32, #tpu.memory_space<hbm>>
      %dma_wait3A_30 = tpu.memref_squeeze %dma_wait3A_29 : memref<1x79x128xi32, #tpu.memory_space<hbm>> -> memref<79x128xi32, #tpu.memory_space<hbm>>
      %dma_wait3A_31 = arith.constant 0 : i32
      %dma_wait3A_32 = arith.constant 0 : i32
      %dma_wait3A_33 = tpu.memref_slice %arg3[%add3A, %dma_wait3A_31, %dma_wait3A_32] : memref<32x79x128xi32, #tpu.memory_space<hbm>> -> memref<1x79x128xi32, #tpu.memory_space<hbm>>
      %dma_wait3A_34 = tpu.memref_squeeze %dma_wait3A_33 : memref<1x79x128xi32, #tpu.memory_space<hbm>> -> memref<79x128xi32, #tpu.memory_space<hbm>>
      tpu.wait_dma2 semaphore(%run_scoped3A : memref<!tpu.dma_semaphore, #tpu.memory_space<semaphore_mem>>) src(%dma_wait3A_34 : memref<79x128xi32, #tpu.memory_space<hbm>>) dst(%arg7 : memref<79x128xi32, #tpu.memory_space<vmem>>)
      tpu.yield
    }) : () -> ()
    "tpu.region"() ({
      %run_scoped3A = tpu.sem_alloc : memref<!tpu.dma_semaphore, #tpu.memory_space<semaphore_mem>>
      %dma_start3A = arith.constant 0 : i32
      %dma_start3A_21 = arith.constant 0 : i32
      %dma_start3A_22 = tpu.memref_slice %arg4[%add3A, %dma_start3A, %dma_start3A_21] : memref<32x79x128xi32, #tpu.memory_space<hbm>> -> memref<1x79x128xi32, #tpu.memory_space<hbm>>
      %dma_start3A_23 = tpu.memref_squeeze %dma_start3A_22 : memref<1x79x128xi32, #tpu.memory_space<hbm>> -> memref<79x128xi32, #tpu.memory_space<hbm>>
      %dma_start3A_24 = arith.constant 0 : i32
      %dma_start3A_25 = arith.constant 0 : i32
      %dma_start3A_26 = tpu.memref_slice %arg4[%add3A, %dma_start3A_24, %dma_start3A_25] : memref<32x79x128xi32, #tpu.memory_space<hbm>> -> memref<1x79x128xi32, #tpu.memory_space<hbm>>
      %dma_start3A_27 = tpu.memref_squeeze %dma_start3A_26 : memref<1x79x128xi32, #tpu.memory_space<hbm>> -> memref<79x128xi32, #tpu.memory_space<hbm>>
      tpu.enqueue_dma source(%dma_start3A_27 : memref<79x128xi32, #tpu.memory_space<hbm>>) target(%arg8 : memref<79x128xi32, #tpu.memory_space<vmem>>) target_semaphore(%run_scoped3A : memref<!tpu.dma_semaphore, #tpu.memory_space<semaphore_mem>>)
      %dma_wait3A = arith.constant 0 : i32
      %dma_wait3A_28 = arith.constant 0 : i32
      %dma_wait3A_29 = tpu.memref_slice %arg4[%add3A, %dma_wait3A, %dma_wait3A_28] : memref<32x79x128xi32, #tpu.memory_space<hbm>> -> memref<1x79x128xi32, #tpu.memory_space<hbm>>
      %dma_wait3A_30 = tpu.memref_squeeze %dma_wait3A_29 : memref<1x79x128xi32, #tpu.memory_space<hbm>> -> memref<79x128xi32, #tpu.memory_space<hbm>>
      %dma_wait3A_31 = arith.constant 0 : i32
      %dma_wait3A_32 = arith.constant 0 : i32
      %dma_wait3A_33 = tpu.memref_slice %arg4[%add3A, %dma_wait3A_31, %dma_wait3A_32] : memref<32x79x128xi32, #tpu.memory_space<hbm>> -> memref<1x79x128xi32, #tpu.memory_space<hbm>>
      %dma_wait3A_34 = tpu.memref_squeeze %dma_wait3A_33 : memref<1x79x128xi32, #tpu.memory_space<hbm>> -> memref<79x128xi32, #tpu.memory_space<hbm>>
      tpu.wait_dma2 semaphore(%run_scoped3A : memref<!tpu.dma_semaphore, #tpu.memory_space<semaphore_mem>>) src(%dma_wait3A_34 : memref<79x128xi32, #tpu.memory_space<hbm>>) dst(%arg8 : memref<79x128xi32, #tpu.memory_space<vmem>>)
      tpu.yield
    }) : () -> ()
    %barrier3A = arith.constant 0 : index
    tpu.barrier barrier_id(%barrier3A)
    %scan3A_8 = arith.constant 0 : i32
    %scan3A_9 = arith.constant 0 : i32
    %scan3A_10 = arith.constant 79 : i32
    %scan3A_11 = arith.addi %scan3A_9, %scan3A_10 : i32
    %scan3A_12 = arith.constant 1 : i32
    scf.for %scan3A_21 = %scan3A_9 to %scan3A_11 step %scan3A_12  : i32 {
      %dma_start3A = arith.constant 0 : i32
      %dma_start3A_22 = tpu.memref_slice %arg7[%scan3A_21, %dma_start3A] : memref<79x128xi32, #tpu.memory_space<vmem>> -> memref<1x128xi32, #tpu.memory_space<vmem>>
      %dma_start3A_23 = tpu.memref_squeeze %dma_start3A_22 : memref<1x128xi32, #tpu.memory_space<vmem>> -> memref<128xi32, #tpu.memory_space<vmem>>
      %dma_start3A_24 = arith.constant 0 : i32
      %dma_start3A_25 = arith.constant 0 : i32
      %dma_start3A_26 = tpu.memref_slice %arg2[%dma_start3A_24, %dma_start3A_25] : memref<10240x128xf32, #tpu.memory_space<hbm>> -> memref<10240x128xf32, #tpu.memory_space<hbm>>
      tpu.enqueue_indirect_dma source(%dma_start3A_26 : memref<10240x128xf32, #tpu.memory_space<hbm>>) target(%arg9 : memref<128x128xf32, #tpu.memory_space<vmem>>) offsets(%dma_start3A_23 : memref<128xi32, #tpu.memory_space<vmem>>) semaphore(%arg11 : memref<!tpu.dma_semaphore, #tpu.memory_space<semaphore_mem>>)
      %dma_wait3A = arith.constant 0 : i32
      %dma_wait3A_27 = tpu.memref_slice %arg7[%scan3A_21, %dma_wait3A] : memref<79x128xi32, #tpu.memory_space<vmem>> -> memref<1x128xi32, #tpu.memory_space<vmem>>
      %dma_wait3A_28 = tpu.memref_squeeze %dma_wait3A_27 : memref<1x128xi32, #tpu.memory_space<vmem>> -> memref<128xi32, #tpu.memory_space<vmem>>
      %dma_wait3A_29 = arith.constant 0 : i32
      %dma_wait3A_30 = arith.constant 0 : i32
      %dma_wait3A_31 = tpu.memref_slice %arg2[%dma_wait3A_29, %dma_wait3A_30] : memref<10240x128xf32, #tpu.memory_space<hbm>> -> memref<10240x128xf32, #tpu.memory_space<hbm>>
      tpu.wait_indirect_dma semaphore(%arg11 : memref<!tpu.dma_semaphore, #tpu.memory_space<semaphore_mem>>) src(%dma_wait3A_31 : memref<10240x128xf32, #tpu.memory_space<hbm>>) dst(%arg9 : memref<128x128xf32, #tpu.memory_space<vmem>>)
      "tpu.region"() ({
        %run_scoped3A = tpu.sem_alloc : memref<!tpu.dma_semaphore, #tpu.memory_space<semaphore_mem>>
        %dma_start3A_32 = arith.constant 0 : i32
        %dma_start3A_33 = tpu.memref_slice %arg8[%scan3A_21, %dma_start3A_32] : memref<79x128xi32, #tpu.memory_space<vmem>> -> memref<1x128xi32, #tpu.memory_space<vmem>>
        %dma_start3A_34 = tpu.memref_squeeze %dma_start3A_33 : memref<1x128xi32, #tpu.memory_space<vmem>> -> memref<128xi32, #tpu.memory_space<vmem>>
        %dma_start3A_35 = arith.constant 0 : i32
        %dma_start3A_36 = arith.constant 0 : i32
        %dma_start3A_37 = tpu.memref_slice %arg10[%dma_start3A_35, %dma_start3A_36] : memref<10240x128xf32, #tpu.memory_space<vmem_shared>> -> memref<10240x128xf32, #tpu.memory_space<vmem_shared>>
        tpu.enqueue_indirect_dma source(%arg9 : memref<128x128xf32, #tpu.memory_space<vmem>>) target(%dma_start3A_37 : memref<10240x128xf32, #tpu.memory_space<vmem_shared>>) offsets(%dma_start3A_34 : memref<128xi32, #tpu.memory_space<vmem>>) semaphore(%run_scoped3A : memref<!tpu.dma_semaphore, #tpu.memory_space<semaphore_mem>>) {add = true}
        %dma_wait3A_38 = arith.constant 0 : i32
        %dma_wait3A_39 = tpu.memref_slice %arg8[%scan3A_21, %dma_wait3A_38] : memref<79x128xi32, #tpu.memory_space<vmem>> -> memref<1x128xi32, #tpu.memory_space<vmem>>
        %dma_wait3A_40 = tpu.memref_squeeze %dma_wait3A_39 : memref<1x128xi32, #tpu.memory_space<vmem>> -> memref<128xi32, #tpu.memory_space<vmem>>
        %dma_wait3A_41 = arith.constant 0 : i32
        %dma_wait3A_42 = arith.constant 0 : i32
        %dma_wait3A_43 = tpu.memref_slice %arg10[%dma_wait3A_41, %dma_wait3A_42] : memref<10240x128xf32, #tpu.memory_space<vmem_shared>> -> memref<10240x128xf32, #tpu.memory_space<vmem_shared>>
        tpu.wait_indirect_dma semaphore(%run_scoped3A : memref<!tpu.dma_semaphore, #tpu.memory_space<semaphore_mem>>) src(%arg9 : memref<128x128xf32, #tpu.memory_space<vmem>>) dst(%dma_wait3A_43 : memref<10240x128xf32, #tpu.memory_space<vmem_shared>>)
        tpu.yield
      }) : () -> ()
    }
    %scan3A_13 = arith.constant 79 : i32
    %barrier3A_14 = arith.constant 0 : index
    tpu.barrier barrier_id(%barrier3A_14)
    %scan3A_15 = arith.constant 0 : i32
    %scan3A_16 = arith.constant 0 : i32
    %scan3A_17 = arith.constant 5 : i32
    %scan3A_18 = arith.addi %scan3A_16, %scan3A_17 : i32
    %scan3A_19 = arith.constant 1 : i32
    scf.for %scan3A_21 = %scan3A_16 to %scan3A_18 step %scan3A_19  : i32 {
      %mul3A_22 = arith.constant 128 : i32
      %mul3A_23 = arith.muli %scan3A_21, %mul3A_22 : i32
      %add3A_24 = arith.addi %mul3A_2, %mul3A_23 : i32
      "tpu.region"() ({
        %run_scoped3A = tpu.sem_alloc : memref<!tpu.dma_semaphore, #tpu.memory_space<semaphore_mem>>
        %dma_start3A = arith.constant 0 : i32
        %dma_start3A_31 = tpu.memref_slice %arg10[%add3A_24, %dma_start3A] : memref<10240x128xf32, #tpu.memory_space<vmem_shared>> -> memref<128x128xf32, #tpu.memory_space<vmem_shared>>
        %dma_start3A_32 = arith.constant 0 : i32
        %dma_start3A_33 = tpu.memref_slice %arg10[%add3A_24, %dma_start3A_32] : memref<10240x128xf32, #tpu.memory_space<vmem_shared>> -> memref<128x128xf32, #tpu.memory_space<vmem_shared>>
        tpu.enqueue_dma source(%dma_start3A_33 : memref<128x128xf32, #tpu.memory_space<vmem_shared>>) target(%arg9 : memref<128x128xf32, #tpu.memory_space<vmem>>) target_semaphore(%run_scoped3A : memref<!tpu.dma_semaphore, #tpu.memory_space<semaphore_mem>>)
        %dma_wait3A = arith.constant 0 : i32
        %dma_wait3A_34 = tpu.memref_slice %arg10[%add3A_24, %dma_wait3A] : memref<10240x128xf32, #tpu.memory_space<vmem_shared>> -> memref<128x128xf32, #tpu.memory_space<vmem_shared>>
        %dma_wait3A_35 = arith.constant 0 : i32
        %dma_wait3A_36 = tpu.memref_slice %arg10[%add3A_24, %dma_wait3A_35] : memref<10240x128xf32, #tpu.memory_space<vmem_shared>> -> memref<128x128xf32, #tpu.memory_space<vmem_shared>>
        tpu.wait_dma2 semaphore(%run_scoped3A : memref<!tpu.dma_semaphore, #tpu.memory_space<semaphore_mem>>) src(%dma_wait3A_36 : memref<128x128xf32, #tpu.memory_space<vmem_shared>>) dst(%arg9 : memref<128x128xf32, #tpu.memory_space<vmem>>)
        tpu.yield
      }) : () -> ()
      %mul3A_25 = arith.constant 10240 : i32
      %mul3A_26 = arith.muli %arg0, %mul3A_25 : i32
      %add3A_27 = arith.addi %mul3A_26, %mul3A_2 : i32
      %mul3A_28 = arith.constant 128 : i32
      %mul3A_29 = arith.muli %scan3A_21, %mul3A_28 : i32
      %add3A_30 = arith.addi %add3A_27, %mul3A_29 : i32
      "tpu.region"() ({
        %run_scoped3A = tpu.sem_alloc : memref<!tpu.dma_semaphore, #tpu.memory_space<semaphore_mem>>
        %dma_start3A = arith.constant 0 : i32
        %dma_start3A_31 = tpu.memref_slice %arg6[%add3A_30, %dma_start3A] : memref<20480x128xf32, #tpu.memory_space<hbm>> -> memref<128x128xf32, #tpu.memory_space<hbm>>
        %dma_start3A_32 = arith.constant 0 : i32
        %dma_start3A_33 = tpu.memref_slice %arg6[%add3A_30, %dma_start3A_32] : memref<20480x128xf32, #tpu.memory_space<hbm>> -> memref<128x128xf32, #tpu.memory_space<hbm>>
        tpu.enqueue_dma source(%arg9 : memref<128x128xf32, #tpu.memory_space<vmem>>) target(%dma_start3A_33 : memref<128x128xf32, #tpu.memory_space<hbm>>) target_semaphore(%run_scoped3A : memref<!tpu.dma_semaphore, #tpu.memory_space<semaphore_mem>>)
        %dma_wait3A = arith.constant 0 : i32
        %dma_wait3A_34 = tpu.memref_slice %arg6[%add3A_30, %dma_wait3A] : memref<20480x128xf32, #tpu.memory_space<hbm>> -> memref<128x128xf32, #tpu.memory_space<hbm>>
        %dma_wait3A_35 = arith.constant 0 : i32
        %dma_wait3A_36 = tpu.memref_slice %arg6[%add3A_30, %dma_wait3A_35] : memref<20480x128xf32, #tpu.memory_space<hbm>> -> memref<128x128xf32, #tpu.memory_space<hbm>>
        tpu.wait_dma2 semaphore(%run_scoped3A : memref<!tpu.dma_semaphore, #tpu.memory_space<semaphore_mem>>) src(%arg9 : memref<128x128xf32, #tpu.memory_space<vmem>>) dst(%dma_wait3A_36 : memref<128x128xf32, #tpu.memory_space<hbm>>)
        tpu.yield
      }) : () -> ()
    }
    %scan3A_20 = arith.constant 5 : i32
    return
  }
}

#map = affine_map<(d0, d1) -> (0, 0)>
#map1 = affine_map<(d0, d1) -> (0, 0, 0)>
module attributes {stable_mosaic.version = 14 : i64} {
  func.func @_sc_agg(%arg0: i32, %arg1: i32, %arg2: memref<10240x128xf32, #tpu.memory_space<hbm>>, %arg3: memref<32x79x128xi32, #tpu.memory_space<hbm>>, %arg4: memref<32x79x128xi32, #tpu.memory_space<hbm>>, %arg5: memref<128x128xf32, #tpu.memory_space<hbm>>, %arg6: memref<20480x128xf32, #tpu.memory_space<hbm>>, %arg7: memref<79x128xi32, #tpu.memory_space<vmem>>, %arg8: memref<79x128xi32, #tpu.memory_space<vmem>>, %arg9: memref<128x128xf32, #tpu.memory_space<vmem>>, %arg10: memref<10240x128xf32, #tpu.memory_space<vmem_shared>>, %arg11: memref<!tpu.dma_semaphore, #tpu.memory_space<semaphore_mem>>) attributes {dimension_semantics = [#tpu.dimension_semantics<core_parallel>, #tpu.dimension_semantics<subcore_parallel>], iteration_bounds = array<i64: 2, 16>, scalar_prefetch = 0 : i64, scratch_operands = 5 : i64, tpu.core_type = #tpu.core_type<sc_vector_subcore>, window_params = [{transform_indices = #map}, {transform_indices = #map1}, {transform_indices = #map1}, {transform_indices = #map}, {transform_indices = #map}]} {
    %mul3A = arith.constant 16 : i32
    %mul3A_0 = arith.muli %arg0, %mul3A : i32
    %add3A = arith.addi %mul3A_0, %arg1 : i32
    %mul3A_1 = arith.constant 640 : i32
    %mul3A_2 = arith.muli %arg1, %mul3A_1 : i32
    "tpu.region"() ({
      %run_scoped3A = tpu.sem_alloc : memref<!tpu.dma_semaphore, #tpu.memory_space<semaphore_mem>>
      tpu.enqueue_dma source(%arg5 : memref<128x128xf32, #tpu.memory_space<hbm>>) target(%arg9 : memref<128x128xf32, #tpu.memory_space<vmem>>) target_semaphore(%run_scoped3A : memref<!tpu.dma_semaphore, #tpu.memory_space<semaphore_mem>>)
      tpu.wait_dma2 semaphore(%run_scoped3A : memref<!tpu.dma_semaphore, #tpu.memory_space<semaphore_mem>>) src(%arg5 : memref<128x128xf32, #tpu.memory_space<hbm>>) dst(%arg9 : memref<128x128xf32, #tpu.memory_space<vmem>>)
      tpu.yield
    }) : () -> ()
    %scan3A = arith.constant 0 : i32
    %scan3A_3 = arith.constant 0 : i32
    %scan3A_4 = arith.constant 5 : i32
    %scan3A_5 = arith.addi %scan3A_3, %scan3A_4 : i32
    %scan3A_6 = arith.constant 1 : i32
    scf.for %scan3A_21 = %scan3A_3 to %scan3A_5 step %scan3A_6  : i32 {
      %mul3A_22 = arith.constant 128 : i32
      %mul3A_23 = arith.muli %scan3A_21, %mul3A_22 : i32
      %add3A_24 = arith.addi %mul3A_2, %mul3A_23 : i32
      "tpu.region"() ({
        %run_scoped3A = tpu.sem_alloc : memref<!tpu.dma_semaphore, #tpu.memory_space<semaphore_mem>>
        %dma_start3A = arith.constant 0 : i32
        %dma_start3A_25 = tpu.memref_slice %arg10[%add3A_24, %dma_start3A] : memref<10240x128xf32, #tpu.memory_space<vmem_shared>> -> memref<128x128xf32, #tpu.memory_space<vmem_shared>>
        %dma_start3A_26 = arith.constant 0 : i32
        %dma_start3A_27 = tpu.memref_slice %arg10[%add3A_24, %dma_start3A_26] : memref<10240x128xf32, #tpu.memory_space<vmem_shared>> -> memref<128x128xf32, #tpu.memory_space<vmem_shared>>
        tpu.enqueue_dma source(%arg9 : memref<128x128xf32, #tpu.memory_space<vmem>>) target(%dma_start3A_27 : memref<128x128xf32, #tpu.memory_space<vmem_shared>>) target_semaphore(%run_scoped3A : memref<!tpu.dma_semaphore, #tpu.memory_space<semaphore_mem>>)
        %dma_wait3A = arith.constant 0 : i32
        %dma_wait3A_28 = tpu.memref_slice %arg10[%add3A_24, %dma_wait3A] : memref<10240x128xf32, #tpu.memory_space<vmem_shared>> -> memref<128x128xf32, #tpu.memory_space<vmem_shared>>
        %dma_wait3A_29 = arith.constant 0 : i32
        %dma_wait3A_30 = tpu.memref_slice %arg10[%add3A_24, %dma_wait3A_29] : memref<10240x128xf32, #tpu.memory_space<vmem_shared>> -> memref<128x128xf32, #tpu.memory_space<vmem_shared>>
        tpu.wait_dma2 semaphore(%run_scoped3A : memref<!tpu.dma_semaphore, #tpu.memory_space<semaphore_mem>>) src(%arg9 : memref<128x128xf32, #tpu.memory_space<vmem>>) dst(%dma_wait3A_30 : memref<128x128xf32, #tpu.memory_space<vmem_shared>>)
        tpu.yield
      }) : () -> ()
    }
    %scan3A_7 = arith.constant 5 : i32
    "tpu.region"() ({
      %run_scoped3A = tpu.sem_alloc : memref<!tpu.dma_semaphore, #tpu.memory_space<semaphore_mem>>
      %dma_start3A = arith.constant 0 : i32
      %dma_start3A_21 = arith.constant 0 : i32
      %dma_start3A_22 = tpu.memref_slice %arg3[%add3A, %dma_start3A, %dma_start3A_21] : memref<32x79x128xi32, #tpu.memory_space<hbm>> -> memref<1x79x128xi32, #tpu.memory_space<hbm>>
      %dma_start3A_23 = tpu.memref_squeeze %dma_start3A_22 : memref<1x79x128xi32, #tpu.memory_space<hbm>> -> memref<79x128xi32, #tpu.memory_space<hbm>>
      %dma_start3A_24 = arith.constant 0 : i32
      %dma_start3A_25 = arith.constant 0 : i32
      %dma_start3A_26 = tpu.memref_slice %arg3[%add3A, %dma_start3A_24, %dma_start3A_25] : memref<32x79x128xi32, #tpu.memory_space<hbm>> -> memref<1x79x128xi32, #tpu.memory_space<hbm>>
      %dma_start3A_27 = tpu.memref_squeeze %dma_start3A_26 : memref<1x79x128xi32, #tpu.memory_space<hbm>> -> memref<79x128xi32, #tpu.memory_space<hbm>>
      tpu.enqueue_dma source(%dma_start3A_27 : memref<79x128xi32, #tpu.memory_space<hbm>>) target(%arg7 : memref<79x128xi32, #tpu.memory_space<vmem>>) target_semaphore(%run_scoped3A : memref<!tpu.dma_semaphore, #tpu.memory_space<semaphore_mem>>)
      %dma_wait3A = arith.constant 0 : i32
      %dma_wait3A_28 = arith.constant 0 : i32
      %dma_wait3A_29 = tpu.memref_slice %arg3[%add3A, %dma_wait3A, %dma_wait3A_28] : memref<32x79x128xi32, #tpu.memory_space<hbm>> -> memref<1x79x128xi32, #tpu.memory_space<hbm>>
      %dma_wait3A_30 = tpu.memref_squeeze %dma_wait3A_29 : memref<1x79x128xi32, #tpu.memory_space<hbm>> -> memref<79x128xi32, #tpu.memory_space<hbm>>
      %dma_wait3A_31 = arith.constant 0 : i32
      %dma_wait3A_32 = arith.constant 0 : i32
      %dma_wait3A_33 = tpu.memref_slice %arg3[%add3A, %dma_wait3A_31, %dma_wait3A_32] : memref<32x79x128xi32, #tpu.memory_space<hbm>> -> memref<1x79x128xi32, #tpu.memory_space<hbm>>
      %dma_wait3A_34 = tpu.memref_squeeze %dma_wait3A_33 : memref<1x79x128xi32, #tpu.memory_space<hbm>> -> memref<79x128xi32, #tpu.memory_space<hbm>>
      tpu.wait_dma2 semaphore(%run_scoped3A : memref<!tpu.dma_semaphore, #tpu.memory_space<semaphore_mem>>) src(%dma_wait3A_34 : memref<79x128xi32, #tpu.memory_space<hbm>>) dst(%arg7 : memref<79x128xi32, #tpu.memory_space<vmem>>)
      tpu.yield
    }) : () -> ()
    "tpu.region"() ({
      %run_scoped3A = tpu.sem_alloc : memref<!tpu.dma_semaphore, #tpu.memory_space<semaphore_mem>>
      %dma_start3A = arith.constant 0 : i32
      %dma_start3A_21 = arith.constant 0 : i32
      %dma_start3A_22 = tpu.memref_slice %arg4[%add3A, %dma_start3A, %dma_start3A_21] : memref<32x79x128xi32, #tpu.memory_space<hbm>> -> memref<1x79x128xi32, #tpu.memory_space<hbm>>
      %dma_start3A_23 = tpu.memref_squeeze %dma_start3A_22 : memref<1x79x128xi32, #tpu.memory_space<hbm>> -> memref<79x128xi32, #tpu.memory_space<hbm>>
      %dma_start3A_24 = arith.constant 0 : i32
      %dma_start3A_25 = arith.constant 0 : i32
      %dma_start3A_26 = tpu.memref_slice %arg4[%add3A, %dma_start3A_24, %dma_start3A_25] : memref<32x79x128xi32, #tpu.memory_space<hbm>> -> memref<1x79x128xi32, #tpu.memory_space<hbm>>
      %dma_start3A_27 = tpu.memref_squeeze %dma_start3A_26 : memref<1x79x128xi32, #tpu.memory_space<hbm>> -> memref<79x128xi32, #tpu.memory_space<hbm>>
      tpu.enqueue_dma source(%dma_start3A_27 : memref<79x128xi32, #tpu.memory_space<hbm>>) target(%arg8 : memref<79x128xi32, #tpu.memory_space<vmem>>) target_semaphore(%run_scoped3A : memref<!tpu.dma_semaphore, #tpu.memory_space<semaphore_mem>>)
      %dma_wait3A = arith.constant 0 : i32
      %dma_wait3A_28 = arith.constant 0 : i32
      %dma_wait3A_29 = tpu.memref_slice %arg4[%add3A, %dma_wait3A, %dma_wait3A_28] : memref<32x79x128xi32, #tpu.memory_space<hbm>> -> memref<1x79x128xi32, #tpu.memory_space<hbm>>
      %dma_wait3A_30 = tpu.memref_squeeze %dma_wait3A_29 : memref<1x79x128xi32, #tpu.memory_space<hbm>> -> memref<79x128xi32, #tpu.memory_space<hbm>>
      %dma_wait3A_31 = arith.constant 0 : i32
      %dma_wait3A_32 = arith.constant 0 : i32
      %dma_wait3A_33 = tpu.memref_slice %arg4[%add3A, %dma_wait3A_31, %dma_wait3A_32] : memref<32x79x128xi32, #tpu.memory_space<hbm>> -> memref<1x79x128xi32, #tpu.memory_space<hbm>>
      %dma_wait3A_34 = tpu.memref_squeeze %dma_wait3A_33 : memref<1x79x128xi32, #tpu.memory_space<hbm>> -> memref<79x128xi32, #tpu.memory_space<hbm>>
      tpu.wait_dma2 semaphore(%run_scoped3A : memref<!tpu.dma_semaphore, #tpu.memory_space<semaphore_mem>>) src(%dma_wait3A_34 : memref<79x128xi32, #tpu.memory_space<hbm>>) dst(%arg8 : memref<79x128xi32, #tpu.memory_space<vmem>>)
      tpu.yield
    }) : () -> ()
    %barrier3A = arith.constant 0 : index
    tpu.barrier barrier_id(%barrier3A)
    %scan3A_8 = arith.constant 0 : i32
    %scan3A_9 = arith.constant 0 : i32
    %scan3A_10 = arith.constant 79 : i32
    %scan3A_11 = arith.addi %scan3A_9, %scan3A_10 : i32
    %scan3A_12 = arith.constant 1 : i32
    scf.for %scan3A_21 = %scan3A_9 to %scan3A_11 step %scan3A_12  : i32 {
      %dma_start3A = arith.constant 0 : i32
      %dma_start3A_22 = tpu.memref_slice %arg7[%scan3A_21, %dma_start3A] : memref<79x128xi32, #tpu.memory_space<vmem>> -> memref<1x128xi32, #tpu.memory_space<vmem>>
      %dma_start3A_23 = tpu.memref_squeeze %dma_start3A_22 : memref<1x128xi32, #tpu.memory_space<vmem>> -> memref<128xi32, #tpu.memory_space<vmem>>
      %dma_start3A_24 = arith.constant 0 : i32
      %dma_start3A_25 = arith.constant 0 : i32
      %dma_start3A_26 = tpu.memref_slice %arg2[%dma_start3A_24, %dma_start3A_25] : memref<10240x128xf32, #tpu.memory_space<hbm>> -> memref<10240x128xf32, #tpu.memory_space<hbm>>
      tpu.enqueue_indirect_dma source(%dma_start3A_26 : memref<10240x128xf32, #tpu.memory_space<hbm>>) target(%arg9 : memref<128x128xf32, #tpu.memory_space<vmem>>) offsets(%dma_start3A_23 : memref<128xi32, #tpu.memory_space<vmem>>) semaphore(%arg11 : memref<!tpu.dma_semaphore, #tpu.memory_space<semaphore_mem>>)
      %dma_wait3A = arith.constant 0 : i32
      %dma_wait3A_27 = tpu.memref_slice %arg7[%scan3A_21, %dma_wait3A] : memref<79x128xi32, #tpu.memory_space<vmem>> -> memref<1x128xi32, #tpu.memory_space<vmem>>
      %dma_wait3A_28 = tpu.memref_squeeze %dma_wait3A_27 : memref<1x128xi32, #tpu.memory_space<vmem>> -> memref<128xi32, #tpu.memory_space<vmem>>
      %dma_wait3A_29 = arith.constant 0 : i32
      %dma_wait3A_30 = arith.constant 0 : i32
      %dma_wait3A_31 = tpu.memref_slice %arg2[%dma_wait3A_29, %dma_wait3A_30] : memref<10240x128xf32, #tpu.memory_space<hbm>> -> memref<10240x128xf32, #tpu.memory_space<hbm>>
      tpu.wait_indirect_dma semaphore(%arg11 : memref<!tpu.dma_semaphore, #tpu.memory_space<semaphore_mem>>) src(%dma_wait3A_31 : memref<10240x128xf32, #tpu.memory_space<hbm>>) dst(%arg9 : memref<128x128xf32, #tpu.memory_space<vmem>>)
      "tpu.region"() ({
        %run_scoped3A = tpu.sem_alloc : memref<!tpu.dma_semaphore, #tpu.memory_space<semaphore_mem>>
        %dma_start3A_32 = arith.constant 0 : i32
        %dma_start3A_33 = tpu.memref_slice %arg8[%scan3A_21, %dma_start3A_32] : memref<79x128xi32, #tpu.memory_space<vmem>> -> memref<1x128xi32, #tpu.memory_space<vmem>>
        %dma_start3A_34 = tpu.memref_squeeze %dma_start3A_33 : memref<1x128xi32, #tpu.memory_space<vmem>> -> memref<128xi32, #tpu.memory_space<vmem>>
        %dma_start3A_35 = arith.constant 0 : i32
        %dma_start3A_36 = arith.constant 0 : i32
        %dma_start3A_37 = tpu.memref_slice %arg10[%dma_start3A_35, %dma_start3A_36] : memref<10240x128xf32, #tpu.memory_space<vmem_shared>> -> memref<10240x128xf32, #tpu.memory_space<vmem_shared>>
        tpu.enqueue_indirect_dma source(%arg9 : memref<128x128xf32, #tpu.memory_space<vmem>>) target(%dma_start3A_37 : memref<10240x128xf32, #tpu.memory_space<vmem_shared>>) offsets(%dma_start3A_34 : memref<128xi32, #tpu.memory_space<vmem>>) semaphore(%run_scoped3A : memref<!tpu.dma_semaphore, #tpu.memory_space<semaphore_mem>>) {add = true}
        %dma_wait3A_38 = arith.constant 0 : i32
        %dma_wait3A_39 = tpu.memref_slice %arg8[%scan3A_21, %dma_wait3A_38] : memref<79x128xi32, #tpu.memory_space<vmem>> -> memref<1x128xi32, #tpu.memory_space<vmem>>
        %dma_wait3A_40 = tpu.memref_squeeze %dma_wait3A_39 : memref<1x128xi32, #tpu.memory_space<vmem>> -> memref<128xi32, #tpu.memory_space<vmem>>
        %dma_wait3A_41 = arith.constant 0 : i32
        %dma_wait3A_42 = arith.constant 0 : i32
        %dma_wait3A_43 = tpu.memref_slice %arg10[%dma_wait3A_41, %dma_wait3A_42] : memref<10240x128xf32, #tpu.memory_space<vmem_shared>> -> memref<10240x128xf32, #tpu.memory_space<vmem_shared>>
        tpu.wait_indirect_dma semaphore(%run_scoped3A : memref<!tpu.dma_semaphore, #tpu.memory_space<semaphore_mem>>) src(%arg9 : memref<128x128xf32, #tpu.memory_space<vmem>>) dst(%dma_wait3A_43 : memref<10240x128xf32, #tpu.memory_space<vmem_shared>>)
        tpu.yield
      }) : () -> ()
    }
    %scan3A_13 = arith.constant 79 : i32
    %barrier3A_14 = arith.constant 0 : index
    tpu.barrier barrier_id(%barrier3A_14)
    %scan3A_15 = arith.constant 0 : i32
    %scan3A_16 = arith.constant 0 : i32
    %scan3A_17 = arith.constant 5 : i32
    %scan3A_18 = arith.addi %scan3A_16, %scan3A_17 : i32
    %scan3A_19 = arith.constant 1 : i32
    scf.for %scan3A_21 = %scan3A_16 to %scan3A_18 step %scan3A_19  : i32 {
      %mul3A_22 = arith.constant 128 : i32
      %mul3A_23 = arith.muli %scan3A_21, %mul3A_22 : i32
      %add3A_24 = arith.addi %mul3A_2, %mul3A_23 : i32
      "tpu.region"() ({
        %run_scoped3A = tpu.sem_alloc : memref<!tpu.dma_semaphore, #tpu.memory_space<semaphore_mem>>
        %dma_start3A = arith.constant 0 : i32
        %dma_start3A_31 = tpu.memref_slice %arg10[%add3A_24, %dma_start3A] : memref<10240x128xf32, #tpu.memory_space<vmem_shared>> -> memref<128x128xf32, #tpu.memory_space<vmem_shared>>
        %dma_start3A_32 = arith.constant 0 : i32
        %dma_start3A_33 = tpu.memref_slice %arg10[%add3A_24, %dma_start3A_32] : memref<10240x128xf32, #tpu.memory_space<vmem_shared>> -> memref<128x128xf32, #tpu.memory_space<vmem_shared>>
        tpu.enqueue_dma source(%dma_start3A_33 : memref<128x128xf32, #tpu.memory_space<vmem_shared>>) target(%arg9 : memref<128x128xf32, #tpu.memory_space<vmem>>) target_semaphore(%run_scoped3A : memref<!tpu.dma_semaphore, #tpu.memory_space<semaphore_mem>>)
        %dma_wait3A = arith.constant 0 : i32
        %dma_wait3A_34 = tpu.memref_slice %arg10[%add3A_24, %dma_wait3A] : memref<10240x128xf32, #tpu.memory_space<vmem_shared>> -> memref<128x128xf32, #tpu.memory_space<vmem_shared>>
        %dma_wait3A_35 = arith.constant 0 : i32
        %dma_wait3A_36 = tpu.memref_slice %arg10[%add3A_24, %dma_wait3A_35] : memref<10240x128xf32, #tpu.memory_space<vmem_shared>> -> memref<128x128xf32, #tpu.memory_space<vmem_shared>>
        tpu.wait_dma2 semaphore(%run_scoped3A : memref<!tpu.dma_semaphore, #tpu.memory_space<semaphore_mem>>) src(%dma_wait3A_36 : memref<128x128xf32, #tpu.memory_space<vmem_shared>>) dst(%arg9 : memref<128x128xf32, #tpu.memory_space<vmem>>)
        tpu.yield
      }) : () -> ()
      %mul3A_25 = arith.constant 10240 : i32
      %mul3A_26 = arith.muli %arg0, %mul3A_25 : i32
      %add3A_27 = arith.addi %mul3A_26, %mul3A_2 : i32
      %mul3A_28 = arith.constant 128 : i32
      %mul3A_29 = arith.muli %scan3A_21, %mul3A_28 : i32
      %add3A_30 = arith.addi %add3A_27, %mul3A_29 : i32
      "tpu.region"() ({
        %run_scoped3A = tpu.sem_alloc : memref<!tpu.dma_semaphore, #tpu.memory_space<semaphore_mem>>
        %dma_start3A = arith.constant 0 : i32
        %dma_start3A_31 = tpu.memref_slice %arg6[%add3A_30, %dma_start3A] : memref<20480x128xf32, #tpu.memory_space<hbm>> -> memref<128x128xf32, #tpu.memory_space<hbm>>
        %dma_start3A_32 = arith.constant 0 : i32
        %dma_start3A_33 = tpu.memref_slice %arg6[%add3A_30, %dma_start3A_32] : memref<20480x128xf32, #tpu.memory_space<hbm>> -> memref<128x128xf32, #tpu.memory_space<hbm>>
        tpu.enqueue_dma source(%arg9 : memref<128x128xf32, #tpu.memory_space<vmem>>) target(%dma_start3A_33 : memref<128x128xf32, #tpu.memory_space<hbm>>) target_semaphore(%run_scoped3A : memref<!tpu.dma_semaphore, #tpu.memory_space<semaphore_mem>>)
        %dma_wait3A = arith.constant 0 : i32
        %dma_wait3A_34 = tpu.memref_slice %arg6[%add3A_30, %dma_wait3A] : memref<20480x128xf32, #tpu.memory_space<hbm>> -> memref<128x128xf32, #tpu.memory_space<hbm>>
        %dma_wait3A_35 = arith.constant 0 : i32
        %dma_wait3A_36 = tpu.memref_slice %arg6[%add3A_30, %dma_wait3A_35] : memref<20480x128xf32, #tpu.memory_space<hbm>> -> memref<128x128xf32, #tpu.memory_space<hbm>>
        tpu.wait_dma2 semaphore(%run_scoped3A : memref<!tpu.dma_semaphore, #tpu.memory_space<semaphore_mem>>) src(%arg9 : memref<128x128xf32, #tpu.memory_space<vmem>>) dst(%dma_wait3A_36 : memref<128x128xf32, #tpu.memory_space<hbm>>)
        tpu.yield
      }) : () -> ()
    }
    %scan3A_20 = arith.constant 5 : i32
    return
  }
}

#map = affine_map<(d0, d1) -> (0, 0)>
#map1 = affine_map<(d0, d1) -> (0, 0, 0)>
module attributes {stable_mosaic.version = 14 : i64} {
  func.func @_sc_agg(%arg0: i32, %arg1: i32, %arg2: memref<10240x128xf32, #tpu.memory_space<hbm>>, %arg3: memref<32x79x128xi32, #tpu.memory_space<hbm>>, %arg4: memref<32x79x128xi32, #tpu.memory_space<hbm>>, %arg5: memref<128x128xf32, #tpu.memory_space<hbm>>, %arg6: memref<20480x128xf32, #tpu.memory_space<hbm>>, %arg7: memref<79x128xi32, #tpu.memory_space<vmem>>, %arg8: memref<79x128xi32, #tpu.memory_space<vmem>>, %arg9: memref<128x128xf32, #tpu.memory_space<vmem>>, %arg10: memref<10240x128xf32, #tpu.memory_space<vmem_shared>>, %arg11: memref<!tpu.dma_semaphore, #tpu.memory_space<semaphore_mem>>) attributes {dimension_semantics = [#tpu.dimension_semantics<core_parallel>, #tpu.dimension_semantics<subcore_parallel>], iteration_bounds = array<i64: 2, 16>, scalar_prefetch = 0 : i64, scratch_operands = 5 : i64, tpu.core_type = #tpu.core_type<sc_vector_subcore>, window_params = [{transform_indices = #map}, {transform_indices = #map1}, {transform_indices = #map1}, {transform_indices = #map}, {transform_indices = #map}]} {
    %mul3A = arith.constant 16 : i32
    %mul3A_0 = arith.muli %arg0, %mul3A : i32
    %add3A = arith.addi %mul3A_0, %arg1 : i32
    %mul3A_1 = arith.constant 640 : i32
    %mul3A_2 = arith.muli %arg1, %mul3A_1 : i32
    "tpu.region"() ({
      %run_scoped3A = tpu.sem_alloc : memref<!tpu.dma_semaphore, #tpu.memory_space<semaphore_mem>>
      tpu.enqueue_dma source(%arg5 : memref<128x128xf32, #tpu.memory_space<hbm>>) target(%arg9 : memref<128x128xf32, #tpu.memory_space<vmem>>) target_semaphore(%run_scoped3A : memref<!tpu.dma_semaphore, #tpu.memory_space<semaphore_mem>>)
      tpu.wait_dma2 semaphore(%run_scoped3A : memref<!tpu.dma_semaphore, #tpu.memory_space<semaphore_mem>>) src(%arg5 : memref<128x128xf32, #tpu.memory_space<hbm>>) dst(%arg9 : memref<128x128xf32, #tpu.memory_space<vmem>>)
      tpu.yield
    }) : () -> ()
    %scan3A = arith.constant 0 : i32
    %scan3A_3 = arith.constant 0 : i32
    %scan3A_4 = arith.constant 5 : i32
    %scan3A_5 = arith.addi %scan3A_3, %scan3A_4 : i32
    %scan3A_6 = arith.constant 1 : i32
    scf.for %scan3A_21 = %scan3A_3 to %scan3A_5 step %scan3A_6  : i32 {
      %mul3A_22 = arith.constant 128 : i32
      %mul3A_23 = arith.muli %scan3A_21, %mul3A_22 : i32
      %add3A_24 = arith.addi %mul3A_2, %mul3A_23 : i32
      "tpu.region"() ({
        %run_scoped3A = tpu.sem_alloc : memref<!tpu.dma_semaphore, #tpu.memory_space<semaphore_mem>>
        %dma_start3A = arith.constant 0 : i32
        %dma_start3A_25 = tpu.memref_slice %arg10[%add3A_24, %dma_start3A] : memref<10240x128xf32, #tpu.memory_space<vmem_shared>> -> memref<128x128xf32, #tpu.memory_space<vmem_shared>>
        %dma_start3A_26 = arith.constant 0 : i32
        %dma_start3A_27 = tpu.memref_slice %arg10[%add3A_24, %dma_start3A_26] : memref<10240x128xf32, #tpu.memory_space<vmem_shared>> -> memref<128x128xf32, #tpu.memory_space<vmem_shared>>
        tpu.enqueue_dma source(%arg9 : memref<128x128xf32, #tpu.memory_space<vmem>>) target(%dma_start3A_27 : memref<128x128xf32, #tpu.memory_space<vmem_shared>>) target_semaphore(%run_scoped3A : memref<!tpu.dma_semaphore, #tpu.memory_space<semaphore_mem>>)
        %dma_wait3A = arith.constant 0 : i32
        %dma_wait3A_28 = tpu.memref_slice %arg10[%add3A_24, %dma_wait3A] : memref<10240x128xf32, #tpu.memory_space<vmem_shared>> -> memref<128x128xf32, #tpu.memory_space<vmem_shared>>
        %dma_wait3A_29 = arith.constant 0 : i32
        %dma_wait3A_30 = tpu.memref_slice %arg10[%add3A_24, %dma_wait3A_29] : memref<10240x128xf32, #tpu.memory_space<vmem_shared>> -> memref<128x128xf32, #tpu.memory_space<vmem_shared>>
        tpu.wait_dma2 semaphore(%run_scoped3A : memref<!tpu.dma_semaphore, #tpu.memory_space<semaphore_mem>>) src(%arg9 : memref<128x128xf32, #tpu.memory_space<vmem>>) dst(%dma_wait3A_30 : memref<128x128xf32, #tpu.memory_space<vmem_shared>>)
        tpu.yield
      }) : () -> ()
    }
    %scan3A_7 = arith.constant 5 : i32
    "tpu.region"() ({
      %run_scoped3A = tpu.sem_alloc : memref<!tpu.dma_semaphore, #tpu.memory_space<semaphore_mem>>
      %dma_start3A = arith.constant 0 : i32
      %dma_start3A_21 = arith.constant 0 : i32
      %dma_start3A_22 = tpu.memref_slice %arg3[%add3A, %dma_start3A, %dma_start3A_21] : memref<32x79x128xi32, #tpu.memory_space<hbm>> -> memref<1x79x128xi32, #tpu.memory_space<hbm>>
      %dma_start3A_23 = tpu.memref_squeeze %dma_start3A_22 : memref<1x79x128xi32, #tpu.memory_space<hbm>> -> memref<79x128xi32, #tpu.memory_space<hbm>>
      %dma_start3A_24 = arith.constant 0 : i32
      %dma_start3A_25 = arith.constant 0 : i32
      %dma_start3A_26 = tpu.memref_slice %arg3[%add3A, %dma_start3A_24, %dma_start3A_25] : memref<32x79x128xi32, #tpu.memory_space<hbm>> -> memref<1x79x128xi32, #tpu.memory_space<hbm>>
      %dma_start3A_27 = tpu.memref_squeeze %dma_start3A_26 : memref<1x79x128xi32, #tpu.memory_space<hbm>> -> memref<79x128xi32, #tpu.memory_space<hbm>>
      tpu.enqueue_dma source(%dma_start3A_27 : memref<79x128xi32, #tpu.memory_space<hbm>>) target(%arg7 : memref<79x128xi32, #tpu.memory_space<vmem>>) target_semaphore(%run_scoped3A : memref<!tpu.dma_semaphore, #tpu.memory_space<semaphore_mem>>)
      %dma_wait3A = arith.constant 0 : i32
      %dma_wait3A_28 = arith.constant 0 : i32
      %dma_wait3A_29 = tpu.memref_slice %arg3[%add3A, %dma_wait3A, %dma_wait3A_28] : memref<32x79x128xi32, #tpu.memory_space<hbm>> -> memref<1x79x128xi32, #tpu.memory_space<hbm>>
      %dma_wait3A_30 = tpu.memref_squeeze %dma_wait3A_29 : memref<1x79x128xi32, #tpu.memory_space<hbm>> -> memref<79x128xi32, #tpu.memory_space<hbm>>
      %dma_wait3A_31 = arith.constant 0 : i32
      %dma_wait3A_32 = arith.constant 0 : i32
      %dma_wait3A_33 = tpu.memref_slice %arg3[%add3A, %dma_wait3A_31, %dma_wait3A_32] : memref<32x79x128xi32, #tpu.memory_space<hbm>> -> memref<1x79x128xi32, #tpu.memory_space<hbm>>
      %dma_wait3A_34 = tpu.memref_squeeze %dma_wait3A_33 : memref<1x79x128xi32, #tpu.memory_space<hbm>> -> memref<79x128xi32, #tpu.memory_space<hbm>>
      tpu.wait_dma2 semaphore(%run_scoped3A : memref<!tpu.dma_semaphore, #tpu.memory_space<semaphore_mem>>) src(%dma_wait3A_34 : memref<79x128xi32, #tpu.memory_space<hbm>>) dst(%arg7 : memref<79x128xi32, #tpu.memory_space<vmem>>)
      tpu.yield
    }) : () -> ()
    "tpu.region"() ({
      %run_scoped3A = tpu.sem_alloc : memref<!tpu.dma_semaphore, #tpu.memory_space<semaphore_mem>>
      %dma_start3A = arith.constant 0 : i32
      %dma_start3A_21 = arith.constant 0 : i32
      %dma_start3A_22 = tpu.memref_slice %arg4[%add3A, %dma_start3A, %dma_start3A_21] : memref<32x79x128xi32, #tpu.memory_space<hbm>> -> memref<1x79x128xi32, #tpu.memory_space<hbm>>
      %dma_start3A_23 = tpu.memref_squeeze %dma_start3A_22 : memref<1x79x128xi32, #tpu.memory_space<hbm>> -> memref<79x128xi32, #tpu.memory_space<hbm>>
      %dma_start3A_24 = arith.constant 0 : i32
      %dma_start3A_25 = arith.constant 0 : i32
      %dma_start3A_26 = tpu.memref_slice %arg4[%add3A, %dma_start3A_24, %dma_start3A_25] : memref<32x79x128xi32, #tpu.memory_space<hbm>> -> memref<1x79x128xi32, #tpu.memory_space<hbm>>
      %dma_start3A_27 = tpu.memref_squeeze %dma_start3A_26 : memref<1x79x128xi32, #tpu.memory_space<hbm>> -> memref<79x128xi32, #tpu.memory_space<hbm>>
      tpu.enqueue_dma source(%dma_start3A_27 : memref<79x128xi32, #tpu.memory_space<hbm>>) target(%arg8 : memref<79x128xi32, #tpu.memory_space<vmem>>) target_semaphore(%run_scoped3A : memref<!tpu.dma_semaphore, #tpu.memory_space<semaphore_mem>>)
      %dma_wait3A = arith.constant 0 : i32
      %dma_wait3A_28 = arith.constant 0 : i32
      %dma_wait3A_29 = tpu.memref_slice %arg4[%add3A, %dma_wait3A, %dma_wait3A_28] : memref<32x79x128xi32, #tpu.memory_space<hbm>> -> memref<1x79x128xi32, #tpu.memory_space<hbm>>
      %dma_wait3A_30 = tpu.memref_squeeze %dma_wait3A_29 : memref<1x79x128xi32, #tpu.memory_space<hbm>> -> memref<79x128xi32, #tpu.memory_space<hbm>>
      %dma_wait3A_31 = arith.constant 0 : i32
      %dma_wait3A_32 = arith.constant 0 : i32
      %dma_wait3A_33 = tpu.memref_slice %arg4[%add3A, %dma_wait3A_31, %dma_wait3A_32] : memref<32x79x128xi32, #tpu.memory_space<hbm>> -> memref<1x79x128xi32, #tpu.memory_space<hbm>>
      %dma_wait3A_34 = tpu.memref_squeeze %dma_wait3A_33 : memref<1x79x128xi32, #tpu.memory_space<hbm>> -> memref<79x128xi32, #tpu.memory_space<hbm>>
      tpu.wait_dma2 semaphore(%run_scoped3A : memref<!tpu.dma_semaphore, #tpu.memory_space<semaphore_mem>>) src(%dma_wait3A_34 : memref<79x128xi32, #tpu.memory_space<hbm>>) dst(%arg8 : memref<79x128xi32, #tpu.memory_space<vmem>>)
      tpu.yield
    }) : () -> ()
    %barrier3A = arith.constant 0 : index
    tpu.barrier barrier_id(%barrier3A)
    %scan3A_8 = arith.constant 0 : i32
    %scan3A_9 = arith.constant 0 : i32
    %scan3A_10 = arith.constant 79 : i32
    %scan3A_11 = arith.addi %scan3A_9, %scan3A_10 : i32
    %scan3A_12 = arith.constant 1 : i32
    scf.for %scan3A_21 = %scan3A_9 to %scan3A_11 step %scan3A_12  : i32 {
      %dma_start3A = arith.constant 0 : i32
      %dma_start3A_22 = tpu.memref_slice %arg7[%scan3A_21, %dma_start3A] : memref<79x128xi32, #tpu.memory_space<vmem>> -> memref<1x128xi32, #tpu.memory_space<vmem>>
      %dma_start3A_23 = tpu.memref_squeeze %dma_start3A_22 : memref<1x128xi32, #tpu.memory_space<vmem>> -> memref<128xi32, #tpu.memory_space<vmem>>
      %dma_start3A_24 = arith.constant 0 : i32
      %dma_start3A_25 = arith.constant 0 : i32
      %dma_start3A_26 = tpu.memref_slice %arg2[%dma_start3A_24, %dma_start3A_25] : memref<10240x128xf32, #tpu.memory_space<hbm>> -> memref<10240x128xf32, #tpu.memory_space<hbm>>
      tpu.enqueue_indirect_dma source(%dma_start3A_26 : memref<10240x128xf32, #tpu.memory_space<hbm>>) target(%arg9 : memref<128x128xf32, #tpu.memory_space<vmem>>) offsets(%dma_start3A_23 : memref<128xi32, #tpu.memory_space<vmem>>) semaphore(%arg11 : memref<!tpu.dma_semaphore, #tpu.memory_space<semaphore_mem>>)
      %dma_wait3A = arith.constant 0 : i32
      %dma_wait3A_27 = tpu.memref_slice %arg7[%scan3A_21, %dma_wait3A] : memref<79x128xi32, #tpu.memory_space<vmem>> -> memref<1x128xi32, #tpu.memory_space<vmem>>
      %dma_wait3A_28 = tpu.memref_squeeze %dma_wait3A_27 : memref<1x128xi32, #tpu.memory_space<vmem>> -> memref<128xi32, #tpu.memory_space<vmem>>
      %dma_wait3A_29 = arith.constant 0 : i32
      %dma_wait3A_30 = arith.constant 0 : i32
      %dma_wait3A_31 = tpu.memref_slice %arg2[%dma_wait3A_29, %dma_wait3A_30] : memref<10240x128xf32, #tpu.memory_space<hbm>> -> memref<10240x128xf32, #tpu.memory_space<hbm>>
      tpu.wait_indirect_dma semaphore(%arg11 : memref<!tpu.dma_semaphore, #tpu.memory_space<semaphore_mem>>) src(%dma_wait3A_31 : memref<10240x128xf32, #tpu.memory_space<hbm>>) dst(%arg9 : memref<128x128xf32, #tpu.memory_space<vmem>>)
      "tpu.region"() ({
        %run_scoped3A = tpu.sem_alloc : memref<!tpu.dma_semaphore, #tpu.memory_space<semaphore_mem>>
        %dma_start3A_32 = arith.constant 0 : i32
        %dma_start3A_33 = tpu.memref_slice %arg8[%scan3A_21, %dma_start3A_32] : memref<79x128xi32, #tpu.memory_space<vmem>> -> memref<1x128xi32, #tpu.memory_space<vmem>>
        %dma_start3A_34 = tpu.memref_squeeze %dma_start3A_33 : memref<1x128xi32, #tpu.memory_space<vmem>> -> memref<128xi32, #tpu.memory_space<vmem>>
        %dma_start3A_35 = arith.constant 0 : i32
        %dma_start3A_36 = arith.constant 0 : i32
        %dma_start3A_37 = tpu.memref_slice %arg10[%dma_start3A_35, %dma_start3A_36] : memref<10240x128xf32, #tpu.memory_space<vmem_shared>> -> memref<10240x128xf32, #tpu.memory_space<vmem_shared>>
        tpu.enqueue_indirect_dma source(%arg9 : memref<128x128xf32, #tpu.memory_space<vmem>>) target(%dma_start3A_37 : memref<10240x128xf32, #tpu.memory_space<vmem_shared>>) offsets(%dma_start3A_34 : memref<128xi32, #tpu.memory_space<vmem>>) semaphore(%run_scoped3A : memref<!tpu.dma_semaphore, #tpu.memory_space<semaphore_mem>>) {add = true}
        %dma_wait3A_38 = arith.constant 0 : i32
        %dma_wait3A_39 = tpu.memref_slice %arg8[%scan3A_21, %dma_wait3A_38] : memref<79x128xi32, #tpu.memory_space<vmem>> -> memref<1x128xi32, #tpu.memory_space<vmem>>
        %dma_wait3A_40 = tpu.memref_squeeze %dma_wait3A_39 : memref<1x128xi32, #tpu.memory_space<vmem>> -> memref<128xi32, #tpu.memory_space<vmem>>
        %dma_wait3A_41 = arith.constant 0 : i32
        %dma_wait3A_42 = arith.constant 0 : i32
        %dma_wait3A_43 = tpu.memref_slice %arg10[%dma_wait3A_41, %dma_wait3A_42] : memref<10240x128xf32, #tpu.memory_space<vmem_shared>> -> memref<10240x128xf32, #tpu.memory_space<vmem_shared>>
        tpu.wait_indirect_dma semaphore(%run_scoped3A : memref<!tpu.dma_semaphore, #tpu.memory_space<semaphore_mem>>) src(%arg9 : memref<128x128xf32, #tpu.memory_space<vmem>>) dst(%dma_wait3A_43 : memref<10240x128xf32, #tpu.memory_space<vmem_shared>>)
        tpu.yield
      }) : () -> ()
    }
    %scan3A_13 = arith.constant 79 : i32
    %barrier3A_14 = arith.constant 0 : index
    tpu.barrier barrier_id(%barrier3A_14)
    %scan3A_15 = arith.constant 0 : i32
    %scan3A_16 = arith.constant 0 : i32
    %scan3A_17 = arith.constant 5 : i32
    %scan3A_18 = arith.addi %scan3A_16, %scan3A_17 : i32
    %scan3A_19 = arith.constant 1 : i32
    scf.for %scan3A_21 = %scan3A_16 to %scan3A_18 step %scan3A_19  : i32 {
      %mul3A_22 = arith.constant 128 : i32
      %mul3A_23 = arith.muli %scan3A_21, %mul3A_22 : i32
      %add3A_24 = arith.addi %mul3A_2, %mul3A_23 : i32
      "tpu.region"() ({
        %run_scoped3A = tpu.sem_alloc : memref<!tpu.dma_semaphore, #tpu.memory_space<semaphore_mem>>
        %dma_start3A = arith.constant 0 : i32
        %dma_start3A_31 = tpu.memref_slice %arg10[%add3A_24, %dma_start3A] : memref<10240x128xf32, #tpu.memory_space<vmem_shared>> -> memref<128x128xf32, #tpu.memory_space<vmem_shared>>
        %dma_start3A_32 = arith.constant 0 : i32
        %dma_start3A_33 = tpu.memref_slice %arg10[%add3A_24, %dma_start3A_32] : memref<10240x128xf32, #tpu.memory_space<vmem_shared>> -> memref<128x128xf32, #tpu.memory_space<vmem_shared>>
        tpu.enqueue_dma source(%dma_start3A_33 : memref<128x128xf32, #tpu.memory_space<vmem_shared>>) target(%arg9 : memref<128x128xf32, #tpu.memory_space<vmem>>) target_semaphore(%run_scoped3A : memref<!tpu.dma_semaphore, #tpu.memory_space<semaphore_mem>>)
        %dma_wait3A = arith.constant 0 : i32
        %dma_wait3A_34 = tpu.memref_slice %arg10[%add3A_24, %dma_wait3A] : memref<10240x128xf32, #tpu.memory_space<vmem_shared>> -> memref<128x128xf32, #tpu.memory_space<vmem_shared>>
        %dma_wait3A_35 = arith.constant 0 : i32
        %dma_wait3A_36 = tpu.memref_slice %arg10[%add3A_24, %dma_wait3A_35] : memref<10240x128xf32, #tpu.memory_space<vmem_shared>> -> memref<128x128xf32, #tpu.memory_space<vmem_shared>>
        tpu.wait_dma2 semaphore(%run_scoped3A : memref<!tpu.dma_semaphore, #tpu.memory_space<semaphore_mem>>) src(%dma_wait3A_36 : memref<128x128xf32, #tpu.memory_space<vmem_shared>>) dst(%arg9 : memref<128x128xf32, #tpu.memory_space<vmem>>)
        tpu.yield
      }) : () -> ()
      %mul3A_25 = arith.constant 10240 : i32
      %mul3A_26 = arith.muli %arg0, %mul3A_25 : i32
      %add3A_27 = arith.addi %mul3A_26, %mul3A_2 : i32
      %mul3A_28 = arith.constant 128 : i32
      %mul3A_29 = arith.muli %scan3A_21, %mul3A_28 : i32
      %add3A_30 = arith.addi %add3A_27, %mul3A_29 : i32
      "tpu.region"() ({
        %run_scoped3A = tpu.sem_alloc : memref<!tpu.dma_semaphore, #tpu.memory_space<semaphore_mem>>
        %dma_start3A = arith.constant 0 : i32
        %dma_start3A_31 = tpu.memref_slice %arg6[%add3A_30, %dma_start3A] : memref<20480x128xf32, #tpu.memory_space<hbm>> -> memref<128x128xf32, #tpu.memory_space<hbm>>
        %dma_start3A_32 = arith.constant 0 : i32
        %dma_start3A_33 = tpu.memref_slice %arg6[%add3A_30, %dma_start3A_32] : memref<20480x128xf32, #tpu.memory_space<hbm>> -> memref<128x128xf32, #tpu.memory_space<hbm>>
        tpu.enqueue_dma source(%arg9 : memref<128x128xf32, #tpu.memory_space<vmem>>) target(%dma_start3A_33 : memref<128x128xf32, #tpu.memory_space<hbm>>) target_semaphore(%run_scoped3A : memref<!tpu.dma_semaphore, #tpu.memory_space<semaphore_mem>>)
        %dma_wait3A = arith.constant 0 : i32
        %dma_wait3A_34 = tpu.memref_slice %arg6[%add3A_30, %dma_wait3A] : memref<20480x128xf32, #tpu.memory_space<hbm>> -> memref<128x128xf32, #tpu.memory_space<hbm>>
        %dma_wait3A_35 = arith.constant 0 : i32
        %dma_wait3A_36 = tpu.memref_slice %arg6[%add3A_30, %dma_wait3A_35] : memref<20480x128xf32, #tpu.memory_space<hbm>> -> memref<128x128xf32, #tpu.memory_space<hbm>>
        tpu.wait_dma2 semaphore(%run_scoped3A : memref<!tpu.dma_semaphore, #tpu.memory_space<semaphore_mem>>) src(%arg9 : memref<128x128xf32, #tpu.memory_space<vmem>>) dst(%dma_wait3A_36 : memref<128x128xf32, #tpu.memory_space<hbm>>)
        tpu.yield
      }) : () -> ()
    }
    %scan3A_20 = arith.constant 5 : i32
    return
  }
}

module attributes {stable_mosaic.version = 14 : i64} {
  func.func @_mlp_body(%arg0: i32, %arg1: memref<512x128xf32, #tpu.memory_space<vmem>>, %arg2: memref<2x512x128xf32, #tpu.memory_space<vmem>>, %arg3: memref<128x128xf32, #tpu.memory_space<vmem>>, %arg4: memref<1x128xf32, #tpu.memory_space<vmem>>, %arg5: memref<128x128xf32, #tpu.memory_space<vmem>>, %arg6: memref<1x128xf32, #tpu.memory_space<vmem>>, %arg7: memref<512x128xf32, #tpu.memory_space<vmem>>) attributes {dimension_semantics = [#tpu.dimension_semantics<arbitrary>], iteration_bounds = array<i64: 20>, scalar_prefetch = 0 : i64, scratch_operands = 0 : i64, tpu.core_type = #tpu.core_type<tc>, window_params = [{transform_indices = @transform_0, window_bounds = array<i64: 512, 128>}, {transform_indices = @transform_1, window_bounds = array<i64: 2, 512, 128>}, {pipeline_mode = #tpu.pipeline_mode<synchronous>, transform_indices = @transform_2, window_bounds = array<i64: 128, 128>}, {pipeline_mode = #tpu.pipeline_mode<synchronous>, transform_indices = @transform_3, window_bounds = array<i64: 1, 128>}, {pipeline_mode = #tpu.pipeline_mode<synchronous>, transform_indices = @transform_4, window_bounds = array<i64: 128, 128>}, {pipeline_mode = #tpu.pipeline_mode<synchronous>, transform_indices = @transform_5, window_bounds = array<i64: 1, 128>}, {transform_indices = @transform_6, window_bounds = array<i64: 512, 128>}]} {
    %get3A = arith.constant 0 : index
    %get3A_0 = arith.constant 0 : index
    %get3A_1 = vector.load %arg1[%get3A, %get3A_0] : memref<512x128xf32, #tpu.memory_space<vmem>>, vector<512x128xf32>
    %get3A_2 = arith.constant 0 : index
    %get3A_3 = arith.constant 0 : index
    %get3A_4 = arith.constant 0 : index
    %get3A_5 = vector.load %arg2[%get3A_2, %get3A_3, %get3A_4] : memref<2x512x128xf32, #tpu.memory_space<vmem>>, vector<1x512x128xf32>
    %get3A_6 = vector.shape_cast %get3A_5 : vector<1x512x128xf32> to vector<512x128xf32>
    %add3A = arith.addf %get3A_1, %get3A_6 : vector<512x128xf32>
    %get3A_7 = arith.constant 1 : index
    %get3A_8 = arith.constant 0 : index
    %get3A_9 = arith.constant 0 : index
    %get3A_10 = vector.load %arg2[%get3A_7, %get3A_8, %get3A_9] : memref<2x512x128xf32, #tpu.memory_space<vmem>>, vector<1x512x128xf32>
    %get3A_11 = vector.shape_cast %get3A_10 : vector<1x512x128xf32> to vector<512x128xf32>
    %add3A_12 = arith.addf %add3A, %get3A_11 : vector<512x128xf32>
    %get3A_13 = arith.constant 0 : index
    %get3A_14 = arith.constant 0 : index
    %get3A_15 = vector.load %arg3[%get3A_13, %get3A_14] : memref<128x128xf32, #tpu.memory_space<vmem>>, vector<128x128xf32>
    %dot_general3A = arith.constant dense<0.000000e+00> : vector<512x128xf32>
    %dot_general3A_16 = tpu.matmul %add3A_12, %get3A_15, %dot_general3A {dimension_numbers = #tpu.dot_dimension_numbers<[1], [0], [0], [1], [0, 0, 1, 1], [], []>, transpose_lhs_hint = false} : vector<512x128xf32>, vector<128x128xf32>, vector<512x128xf32> -> vector<512x128xf32>
    %get3A_17 = arith.constant 0 : index
    %get3A_18 = arith.constant 0 : index
    %get3A_19 = vector.load %arg4[%get3A_17, %get3A_18] : memref<1x128xf32, #tpu.memory_space<vmem>>, vector<1x128xf32>
    %add3A_20 = vector.broadcast %get3A_19 : vector<1x128xf32> to vector<512x128xf32>
    %add3A_21 = arith.addf %dot_general3A_16, %add3A_20 : vector<512x128xf32>
    %max3A = arith.constant 0.000000e+00 : f32
    %max3A_22 = vector.broadcast %max3A : f32 to vector<512x128xf32>
    %max3A_23 = arith.maximumf %add3A_21, %max3A_22 : vector<512x128xf32>
    %get3A_24 = arith.constant 0 : index
    %get3A_25 = arith.constant 0 : index
    %get3A_26 = vector.load %arg5[%get3A_24, %get3A_25] : memref<128x128xf32, #tpu.memory_space<vmem>>, vector<128x128xf32>
    %dot_general3A_27 = arith.constant dense<0.000000e+00> : vector<512x128xf32>
    %dot_general3A_28 = tpu.matmul %max3A_23, %get3A_26, %dot_general3A_27 {dimension_numbers = #tpu.dot_dimension_numbers<[1], [0], [0], [1], [0, 0, 1, 1], [], []>, transpose_lhs_hint = false} : vector<512x128xf32>, vector<128x128xf32>, vector<512x128xf32> -> vector<512x128xf32>
    %get3A_29 = arith.constant 0 : index
    %get3A_30 = arith.constant 0 : index
    %get3A_31 = vector.load %arg6[%get3A_29, %get3A_30] : memref<1x128xf32, #tpu.memory_space<vmem>>, vector<1x128xf32>
    %add3A_32 = vector.broadcast %get3A_31 : vector<1x128xf32> to vector<512x128xf32>
    %add3A_33 = arith.addf %dot_general3A_28, %add3A_32 : vector<512x128xf32>
    %max3A_34 = arith.constant 0.000000e+00 : f32
    %max3A_35 = vector.broadcast %max3A_34 : f32 to vector<512x128xf32>
    %max3A_36 = arith.maximumf %add3A_33, %max3A_35 : vector<512x128xf32>
    %swap3A = arith.constant 0 : index
    %swap3A_37 = arith.constant 0 : index
    %swap3A_38 = vector.load %arg7[%swap3A, %swap3A_37] : memref<512x128xf32, #tpu.memory_space<vmem>>, vector<512x128xf32>
    tpu.vector_store %arg7[%swap3A, %swap3A_37], %max3A_36 {strides = array<i32>} : memref<512x128xf32, #tpu.memory_space<vmem>>, vector<512x128xf32>,
    return
  }
  func.func @transform_0(%arg0: i32) -> (i32, i32) {
    %c0_i32 = arith.constant 0 : i32
    %c0_i32_0 = arith.constant 0 : i32
    return %arg0, %c0_i32 : i32, i32
  }
  func.func @transform_1(%arg0: i32) -> (i32, i32, i32) {
    %c0_i32 = arith.constant 0 : i32
    %c0_i32_0 = arith.constant 0 : i32
    %c0_i32_1 = arith.constant 0 : i32
    return %c0_i32, %arg0, %c0_i32_0 : i32, i32, i32
  }
  func.func @transform_2(%arg0: i32) -> (i32, i32) {
    %c0_i32 = arith.constant 0 : i32
    %c0_i32_0 = arith.constant 0 : i32
    %c0_i32_1 = arith.constant 0 : i32
    return %c0_i32, %c0_i32_0 : i32, i32
  }
  func.func @transform_3(%arg0: i32) -> (i32, i32) {
    %c0_i32 = arith.constant 0 : i32
    %c0_i32_0 = arith.constant 0 : i32
    %c0_i32_1 = arith.constant 0 : i32
    return %c0_i32, %c0_i32_0 : i32, i32
  }
  func.func @transform_4(%arg0: i32) -> (i32, i32) {
    %c0_i32 = arith.constant 0 : i32
    %c0_i32_0 = arith.constant 0 : i32
    %c0_i32_1 = arith.constant 0 : i32
    return %c0_i32, %c0_i32_0 : i32, i32
  }
  func.func @transform_5(%arg0: i32) -> (i32, i32) {
    %c0_i32 = arith.constant 0 : i32
    %c0_i32_0 = arith.constant 0 : i32
    %c0_i32_1 = arith.constant 0 : i32
    return %c0_i32, %c0_i32_0 : i32, i32
  }
  func.func @transform_6(%arg0: i32) -> (i32, i32) {
    %c0_i32 = arith.constant 0 : i32
    %c0_i32_0 = arith.constant 0 : i32
    return %arg0, %c0_i32 : i32, i32
  }
}

module attributes {stable_mosaic.version = 14 : i64} {
  func.func @_pool_body(%arg0: i32, %arg1: memref<512x128xf32, #tpu.memory_space<vmem>>, %arg2: memref<1x1x512xi32, #tpu.memory_space<vmem>>, %arg3: memref<128x128xf32, #tpu.memory_space<vmem>>, %arg4: memref<1x128xf32, #tpu.memory_space<vmem>>, %arg5: memref<128x128xf32, #tpu.memory_space<vmem>>, %arg6: memref<1x128xf32, #tpu.memory_space<vmem>>, %arg7: memref<128x128xf32, #tpu.memory_space<vmem>>, %arg8: memref<128x128xf32, #tpu.memory_space<vmem>>) attributes {dimension_semantics = [#tpu.dimension_semantics<arbitrary>], iteration_bounds = array<i64: 20>, scalar_prefetch = 0 : i64, scratch_operands = 1 : i64, tpu.core_type = #tpu.core_type<tc>, window_params = [{transform_indices = @transform_0, window_bounds = array<i64: 512, 128>}, {transform_indices = @transform_1, window_bounds = array<i64: 1, 1, 512>}, {pipeline_mode = #tpu.pipeline_mode<synchronous>, transform_indices = @transform_2, window_bounds = array<i64: 128, 128>}, {pipeline_mode = #tpu.pipeline_mode<synchronous>, transform_indices = @transform_3, window_bounds = array<i64: 1, 128>}, {pipeline_mode = #tpu.pipeline_mode<synchronous>, transform_indices = @transform_4, window_bounds = array<i64: 128, 128>}, {pipeline_mode = #tpu.pipeline_mode<synchronous>, transform_indices = @transform_5, window_bounds = array<i64: 1, 128>}, {pipeline_mode = #tpu.pipeline_mode<synchronous>, transform_indices = @transform_6, window_bounds = array<i64: 128, 128>}]} {
    %eq3A = arith.constant 0 : i32
    %eq3A_0 = arith.cmpi eq, %arg0, %eq3A : i32
    %convert_element_type3A = arith.extui %eq3A_0 : i1 to i32
    %cond3A = arith.constant 0 : i32
    %cond3A_1 = arith.cmpi ne, %convert_element_type3A, %cond3A : i32
    scf.if %cond3A_1 {
      %broadcast_in_dim3A_24 = arith.constant 0.000000e+00 : f32
      %broadcast_in_dim3A_25 = vector.broadcast %broadcast_in_dim3A_24 : f32 to vector<128x128xf32>
      %swap3A_26 = arith.constant 0 : index
      %swap3A_27 = arith.constant 0 : index
      %swap3A_28 = vector.load %arg8[%swap3A_26, %swap3A_27] : memref<128x128xf32, #tpu.memory_space<vmem>>, vector<128x128xf32>
      tpu.vector_store %arg8[%swap3A_26, %swap3A_27], %broadcast_in_dim3A_25 {strides = array<i32>} : memref<128x128xf32, #tpu.memory_space<vmem>>, vector<128x128xf32>,
    } else {
    }
    %get3A = arith.constant 0 : index
    %get3A_2 = arith.constant 0 : index
    %get3A_3 = arith.constant 0 : index
    %get3A_4 = vector.load %arg2[%get3A, %get3A_2, %get3A_3] : memref<1x1x512xi32, #tpu.memory_space<vmem>>, vector<1x1x512xi32>
    %get3A_5 = vector.shape_cast %get3A_4 : vector<1x1x512xi32> to vector<512xi32>
    %iota3A = tpu.iota {dimensions = array<i32: 0>} : vector<128x512xi32>
    %broadcast_in_dim3A = vector.shape_cast %get3A_5 : vector<512xi32> to vector<1x512xi32>
    %eq3A_6 = vector.broadcast %broadcast_in_dim3A : vector<1x512xi32> to vector<128x512xi32>
    %eq3A_7 = arith.cmpi eq, %iota3A, %eq3A_6 : vector<128x512xi32>
    %convert_element_type3A_8 = arith.extui %eq3A_7 : vector<128x512xi1> to vector<128x512xi32>
    %convert_element_type3A_9 = arith.sitofp %convert_element_type3A_8 : vector<128x512xi32> to vector<128x512xf32>
    %get3A_10 = arith.constant 0 : index
    %get3A_11 = arith.constant 0 : index
    %get3A_12 = vector.load %arg8[%get3A_10, %get3A_11] : memref<128x128xf32, #tpu.memory_space<vmem>>, vector<128x128xf32>
    %get3A_13 = arith.constant 0 : index
    %get3A_14 = arith.constant 0 : index
    %get3A_15 = vector.load %arg1[%get3A_13, %get3A_14] : memref<512x128xf32, #tpu.memory_space<vmem>>, vector<512x128xf32>
    %dot_general3A = arith.constant dense<0.000000e+00> : vector<128x128xf32>
    %dot_general3A_16 = tpu.matmul %convert_element_type3A_9, %get3A_15, %dot_general3A {dimension_numbers = #tpu.dot_dimension_numbers<[1], [0], [0], [1], [0, 0, 1, 1], [], []>, transpose_lhs_hint = false} : vector<128x512xf32>, vector<512x128xf32>, vector<128x128xf32> -> vector<128x128xf32>
    %add3A = arith.addf %get3A_12, %dot_general3A_16 : vector<128x128xf32>
    %swap3A = arith.constant 0 : index
    %swap3A_17 = arith.constant 0 : index
    %swap3A_18 = vector.load %arg8[%swap3A, %swap3A_17] : memref<128x128xf32, #tpu.memory_space<vmem>>, vector<128x128xf32>
    tpu.vector_store %arg8[%swap3A, %swap3A_17], %add3A {strides = array<i32>} : memref<128x128xf32, #tpu.memory_space<vmem>>, vector<128x128xf32>,
    %eq3A_19 = arith.constant 19 : i32
    %eq3A_20 = arith.cmpi eq, %arg0, %eq3A_19 : i32
    %convert_element_type3A_21 = arith.extui %eq3A_20 : i1 to i32
    %cond3A_22 = arith.constant 0 : i32
    %cond3A_23 = arith.cmpi ne, %convert_element_type3A_21, %cond3A_22 : i32
    scf.if %cond3A_23 {
      %get3A_24 = arith.constant 0 : index
      %get3A_25 = arith.constant 0 : index
      %get3A_26 = vector.load %arg8[%get3A_24, %get3A_25] : memref<128x128xf32, #tpu.memory_space<vmem>>, vector<128x128xf32>
      %get3A_27 = arith.constant 0 : index
      %get3A_28 = arith.constant 0 : index
      %get3A_29 = vector.load %arg3[%get3A_27, %get3A_28] : memref<128x128xf32, #tpu.memory_space<vmem>>, vector<128x128xf32>
      %dot_general3A_30 = arith.constant dense<0.000000e+00> : vector<128x128xf32>
      %dot_general3A_31 = tpu.matmul %get3A_26, %get3A_29, %dot_general3A_30 {dimension_numbers = #tpu.dot_dimension_numbers<[1], [0], [0], [1], [0, 0, 1, 1], [], []>, transpose_lhs_hint = false} : vector<128x128xf32>, vector<128x128xf32>, vector<128x128xf32> -> vector<128x128xf32>
      %get3A_32 = arith.constant 0 : index
      %get3A_33 = arith.constant 0 : index
      %get3A_34 = vector.load %arg4[%get3A_32, %get3A_33] : memref<1x128xf32, #tpu.memory_space<vmem>>, vector<1x128xf32>
      %add3A_35 = vector.broadcast %get3A_34 : vector<1x128xf32> to vector<128x128xf32>
      %add3A_36 = arith.addf %dot_general3A_31, %add3A_35 : vector<128x128xf32>
      %max3A = arith.constant 0.000000e+00 : f32
      %max3A_37 = vector.broadcast %max3A : f32 to vector<128x128xf32>
      %max3A_38 = arith.maximumf %add3A_36, %max3A_37 : vector<128x128xf32>
      %get3A_39 = arith.constant 0 : index
      %get3A_40 = arith.constant 0 : index
      %get3A_41 = vector.load %arg5[%get3A_39, %get3A_40] : memref<128x128xf32, #tpu.memory_space<vmem>>, vector<128x128xf32>
      %dot_general3A_42 = arith.constant dense<0.000000e+00> : vector<128x128xf32>
      %dot_general3A_43 = tpu.matmul %max3A_38, %get3A_41, %dot_general3A_42 {dimension_numbers = #tpu.dot_dimension_numbers<[1], [0], [0], [1], [0, 0, 1, 1], [], []>, transpose_lhs_hint = false} : vector<128x128xf32>, vector<128x128xf32>, vector<128x128xf32> -> vector<128x128xf32>
      %get3A_44 = arith.constant 0 : index
      %get3A_45 = arith.constant 0 : index
      %get3A_46 = vector.load %arg6[%get3A_44, %get3A_45] : memref<1x128xf32, #tpu.memory_space<vmem>>, vector<1x128xf32>
      %add3A_47 = vector.broadcast %get3A_46 : vector<1x128xf32> to vector<128x128xf32>
      %add3A_48 = arith.addf %dot_general3A_43, %add3A_47 : vector<128x128xf32>
      %swap3A_49 = arith.constant 0 : index
      %swap3A_50 = arith.constant 0 : index
      %swap3A_51 = vector.load %arg7[%swap3A_49, %swap3A_50] : memref<128x128xf32, #tpu.memory_space<vmem>>, vector<128x128xf32>
      tpu.vector_store %arg7[%swap3A_49, %swap3A_50], %add3A_48 {strides = array<i32>} : memref<128x128xf32, #tpu.memory_space<vmem>>, vector<128x128xf32>,
    } else {
    }
    return
  }
  func.func @transform_0(%arg0: i32) -> (i32, i32) {
    %c0_i32 = arith.constant 0 : i32
    %c0_i32_0 = arith.constant 0 : i32
    return %arg0, %c0_i32 : i32, i32
  }
  func.func @transform_1(%arg0: i32) -> (i32, i32, i32) {
    %c0_i32 = arith.constant 0 : i32
    %c0_i32_0 = arith.constant 0 : i32
    %c0_i32_1 = arith.constant 0 : i32
    return %arg0, %c0_i32, %c0_i32_0 : i32, i32, i32
  }
  func.func @transform_2(%arg0: i32) -> (i32, i32) {
    %c0_i32 = arith.constant 0 : i32
    %c0_i32_0 = arith.constant 0 : i32
    %c0_i32_1 = arith.constant 0 : i32
    return %c0_i32, %c0_i32_0 : i32, i32
  }
  func.func @transform_3(%arg0: i32) -> (i32, i32) {
    %c0_i32 = arith.constant 0 : i32
    %c0_i32_0 = arith.constant 0 : i32
    %c0_i32_1 = arith.constant 0 : i32
    return %c0_i32, %c0_i32_0 : i32, i32
  }
  func.func @transform_4(%arg0: i32) -> (i32, i32) {
    %c0_i32 = arith.constant 0 : i32
    %c0_i32_0 = arith.constant 0 : i32
    %c0_i32_1 = arith.constant 0 : i32
    return %c0_i32, %c0_i32_0 : i32, i32
  }
  func.func @transform_5(%arg0: i32) -> (i32, i32) {
    %c0_i32 = arith.constant 0 : i32
    %c0_i32_0 = arith.constant 0 : i32
    %c0_i32_1 = arith.constant 0 : i32
    return %c0_i32, %c0_i32_0 : i32, i32
  }
  func.func @transform_6(%arg0: i32) -> (i32, i32) {
    %c0_i32 = arith.constant 0 : i32
    %c0_i32_0 = arith.constant 0 : i32
    %c0_i32_1 = arith.constant 0 : i32
    return %c0_i32, %c0_i32_0 : i32, i32
  }
}

</mosaic_0001>

<sc_bundles>
// kernel: kernel.12.cloned.1.call-start
scs
__scs_entry_jumppad:
0x0: {  	(pc) =	sbr.rel $0x88, $3  }
0x1: {  	(tag) =	ssettag $0x0;
	lr =	simm.s32 $0x1  }
0x2: {  	[smem:$0x3F88] =	sst lr;
	_ =	strace $0xD0000000  }
0x3: {  	_ = 	snop  }
0x4: {  	_ = 	snop  }
0x5: {  	_ = 	snop  }
0x6: {  	_ = 	snop  }
0x7: {  	_ = 	snop  }
__scs_overlays_trampoline_lowered:
0x8: {  	[smem:$0x3F97] =	sst s0  }
0x9: {  	[smem:$0x3F98] =	sst s1  }
0xa: {  	[smem:$0x3F99] =	sst s2  }
0xb: {  	[smem:$0x3F9A] =	sst s3  }
0xc: {  	[smem:$0x3F9B] =	sst s4  }
0xd: {  	[smem:$0x3F9C] =	sst s5  }
0xe: {  	[smem:$0x3F9D] =	sst s6  }
0xf: {  	[smem:$0x3F9E] =	sst s7  }
0x10: {  	[smem:$0x3F9F] =	sst s8  }
0x11: {  	[smem:$0x3FA0] =	sst s9;
	s0 =	simm.s32 @!p0 $0x0  }
0x12: {  	s1 =	sld [smem:$0x3F86];
	s0 =	simm.s32 @p0 $0x1  }
0x13: {  	[smem:$0x3FA1] =	sst s0;
	s0 =	simm.s32 @!p1 $0x0  }
0x14: {  	s2 =	sld [smem:$0x3F85];
	s0 =	simm.s32 @p1 $0x1  }
0x15: {  	[smem:$0x3FA2] =	sst s0;
	s0 =	simm.s32 @!p2 $0x0  }
0x16: {  	s3 =	sld [smem:$0x3FDB];
	s0 =	simm.s32 @p2 $0x1  }
0x17: {  	s4 =	simm.s32 $0x1BF5;
	[smem:$0x3FA4] =	sst s0  }
0x18: {  	s0 =	sld [smem:$0x3F87];
	_ =	swait.ge [sflag:s4], $0x0  }
0x19: {  	s7 =	sld [smem:$0x3F88]  }
0x1a: {  	s8 =	sadd.s32 $0xFFFFE003, lr  }
0x1b: {  	s9 =	sadd.s32 $0xFFFFFEF7, lr;
	s5 =	simm.s32 $0xFFFFFFFF;
	p2 =	slt.u32 s8, $0xFFFFF086  }
0x1c: {  	p1 =	slt.u32 s9, $0xF7A;
	s5 =	simm.s32 @!p2 $0x0  }
0x1d: {  	s5 =	simm.s32 @p1 $0x1;
	p0 =	seq.s32 s7, s2  }
0x1e: {  	s7 =	smul.u32 @!p0 $0xF7A, s2;
	p2 =	seq.s32 @!p0 s5, $0x0  }
0x1f: {  	s9 =	smul.u32 $0xF7A, s1;
	s8 =	simm.s32 @!p0 $0x1BF5;
	p2 =	por !p2, p0  }
0x20: {  	[sflag:s8] =	ssyncset.s32 @!p0 $0xFFFFF086;
	s6 =	sadd.s32 @!p0 s3, s7;
	s7 =	simm.s32 @!p0 $0x108  }
0x21: {  	s3 =	sadd.s32 s3, s9;
	s6 =	sadd.s32 @!p0 $0x88, s6;
	s7 =	simm.s32 @p2 $0x1082  }
0x22: {  	[simem:s7], [sflag:s8] =	dma.local @!p0 [hbm:s6], $0xF7A  }
0x23: {  	s9 =	sor.u32 $0xD0000000, s2;
	s6 =	simm.s32 $0x108;
	_ =	swait.ge @!p0 [sflag:s8], $0x0  }
0x24: {  	s3 =	sadd.s32 $0x88, s3;
	s6 =	simm.s32 @!p1 $0x1082;
	[sflag:s4] =	ssyncset.s32 $0xFFFFF086  }
0x25: {  	[simem:s6], [sflag:s4] =	dma.local [hbm:s3], $0xF7A  }
0x26: {  	[smem:$0x3F88] =	sst s1;
	(tag) =	ssettag s2;
	_ =	strace s9  }
0x27: {  	s1 =	sld [smem:$0x3F98]  }
0x28: {  	s2 =	sld [smem:$0x3F99]  }
0x29: {  	s4 =	sld [smem:$0x3F9B]  }
0x2a: {  	p0 =	seq.s32 s5, $0x0;
	s5 =	sld [smem:$0x3F9C]  }
0x2b: {  	s6 =	sld [smem:$0x3F9D]  }
0x2c: {  	s7 =	sld [smem:$0x3F9E]  }
0x2d: {  	s3 =	simm.s32 $0x108;
	s8 =	sld [smem:$0x3F9F]  }
0x2e: {  	s3 =	simm.s32 @!p0 $0x1082;
	s9 =	sld [smem:$0x3FA0]  }
0x2f: {  	lr =	sadd.s32 s0, s3;
	s0 =	sld [smem:$0x3F97]  }
0x30: {  	s3 =	sld [smem:$0x3F9A]  }
0x31: {  	[smem:$0x3FA3] =	sst s10  }
0x32: {  	s10 =	sld [smem:$0x3FA1];
	_ =	sdelay $0x3  }
0x33: {  	p0 =	seq.s32 s10, $0x1;
	s10 =	sld [smem:$0x3FA3];
	_ =	sdelay $0x3  }
0x34: {  	[smem:$0x3FA3] =	sst s10  }
0x35: {  	s10 =	sld [smem:$0x3FA2];
	_ =	sdelay $0x3  }
0x36: {  	p1 =	seq.s32 s10, $0x1;
	s10 =	sld [smem:$0x3FA3];
	_ =	sdelay $0x3  }
0x37: {  	[smem:$0x3FA3] =	sst s10  }
0x38: {  	s10 =	sld [smem:$0x3FA4]  }
0x39: {  	_ = 	snop;
	(pc) =	sbr.ind lr, $3  }
0x3a: {  	_ = 	snop  }
0x3b: {  	_ = 	snop  }
0x3c: {  	p2 =	seq.s32 s10, $0x1;
	s10 =	sld [smem:$0x3FA3]  }
0x3d: {  	_ =	shalt  }
0x3e: {  	_ =	shalt  }
0x3f: {  	_ =	shalt  }
0x40: {  	_ =	shalt  }
0x41: {  	_ =	shalt  }
0x42: {  	_ =	shalt  }
0x43: {  	_ =	shalt  }
0x44: {  	_ =	shalt  }
0x45: {  	_ =	shalt  }
0x46: {  	_ =	shalt  }
0x47: {  	_ =	shalt  }
0x48: {  	_ =	shalt  }
0x49: {  	_ =	shalt  }
0x4a: {  	_ =	shalt  }
0x4b: {  	_ =	shalt  }
0x4c: {  	_ =	shalt  }
0x4d: {  	_ =	shalt  }
0x4e: {  	_ =	shalt  }
0x4f: {  	_ =	shalt  }
0x50: {  	_ =	shalt  }
0x51: {  	_ =	shalt  }
0x52: {  	_ =	shalt  }
0x53: {  	_ =	shalt  }
0x54: {  	_ =	shalt  }
0x55: {  	_ =	shalt  }
0x56: {  	_ =	shalt  }
0x57: {  	_ =	shalt  }
0x58: {  	_ =	shalt  }
0x59: {  	_ =	shalt  }
0x5a: {  	_ =	shalt  }
0x5b: {  	_ =	shalt  }
0x5c: {  	_ =	shalt  }
0x5d: {  	_ =	shalt  }
0x5e: {  	_ =	shalt  }
0x5f: {  	_ =	shalt  }
0x60: {  	_ =	shalt  }
0x61: {  	_ =	shalt  }
0x62: {  	_ =	shalt  }
0x63: {  	_ =	shalt  }
0x64: {  	_ =	shalt  }
0x65: {  	_ =	shalt  }
0x66: {  	_ =	shalt  }
0x67: {  	_ =	shalt  }
0x68: {  	_ =	shalt  }
0x69: {  	_ =	shalt  }
0x6a: {  	_ =	shalt  }
0x6b: {  	_ =	shalt  }
0x6c: {  	_ =	shalt  }
0x6d: {  	_ =	shalt  }
0x6e: {  	_ =	shalt  }
0x6f: {  	_ =	shalt  }
0x70: {  	_ =	shalt  }
0x71: {  	_ =	shalt  }
0x72: {  	_ =	shalt  }
0x73: {  	_ =	shalt  }
0x74: {  	_ =	shalt  }
0x75: {  	_ =	shalt  }
0x76: {  	_ =	shalt  }
0x77: {  	_ =	shalt  }
0x78: {  	_ =	shalt  }
0x79: {  	_ =	shalt  }
0x7a: {  	_ =	shalt  }
0x7b: {  	_ =	shalt  }
0x7c: {  	_ =	shalt  }
0x7d: {  	_ =	shalt  }
0x7e: {  	_ =	shalt  }
0x7f: {  	_ =	shalt  }
0x80: {  	_ =	shalt  }
0x81: {  	_ =	shalt  }
0x82: {  	_ =	shalt  }
0x83: {  	_ =	shalt  }
0x84: {  	_ =	shalt  }
0x85: {  	_ =	shalt  }
0x86: {  	_ =	shalt  }
0x87: {  	_ =	shalt  }
.Lfunc_end0:
.L_simem_size_0:
called_computation.1_lowered:
.L_overlay_start_0:
0x88: {  	s2 =	sld [smem:$0x3FD9]  }
0x89: {  	s3 =	sld [smem:$0x3FFE];
	_ =	sdelay $0x1  }
0x8a: {  	s1 =	srdreg.scid  }
0x8b: {  	s0 =	sand.u32 $0x1, s1  }
0x8c: {  	s16 =	sshll.u32 s0, $0xA;
	s2 =	sadd.s32 s3, s2  }
0x8d: {  	s2 =	sadd.s32 s2, s16  }
0x8e: {  	[smem:$0x3FAF] =	sst s2  }
0x8f: {  	_ = 	snop  }
0x90: {  	(tm) =	ssettm $0x1  }
0x91: {  	s17 =	sld [smem:$0x3FFB];
	_ =	sdelay $0x3  }
0x92: {  	_ =	strace s17  }
0x93: {  	s2 =	sld [smem:$0x3FFC];
	_ =	sdelay $0x3  }
0x94: {  	_ =	strace s2  }
0x95: {  	s2 =	sld [smem:$0x3FFD];
	_ =	sdelay $0x3  }
0x96: {  	_ =	strace s2  }
0x97: {  	_ =	strace $0x8FFFFFFF  }
0x98: {  	s18 =	sld [smem:$0x3FDB];
	_ =	sdelay $0x1  }
0x99: {  	s19 =	simm.s32 $_scs_section_size  }
0x9a: {  	s4 =	simm.s32 $_size__tile_overlayer_lowered;
	s5 =	simm.s32 $_tile_overlayer_lowered  }
0x9b: {  	s22 =	simm.s32 $0x1BFF;
	s21 =	sshll.u32 s5, $0x1;
	s2 =	sadd.s32 s19, s18  }
0x9c: {  	s6 =	simm.s32 $0x0;
	s20 =	sshll.u32 s4, $0x1;
	s4 =	sadd.s32 s21, s2  }
0x9d: {  	[timem:s6], [sflag:s22] =	dma.local [hbm:s4], s20  }
0x9e: {  	_ =	swait.ge [sflag:s22], s20  }
0x9f: {  	s3 =	ssub.s32 $0x0, s20;
	[sflag:s22] =	ssyncset.done $0x0  }
0xa0: {  	[sflag:s22] =	ssyncadd.s32 s3;
	_ =	sdelay $0x1  }
0xa1: {  	s23 =	simm.s32 $0x1B8B  }
0xa2: {  	_ =	swait.ge [sflag:s23], $0x1  }
0xa3: {  	[sflag:s23] =	ssyncset.done $0x0  }
0xa4: {  	s25 =	simm.s32 $0x1B8E;
	s24 =	sld [smem:$0x3FFE];
	[sflag:s23] =	ssyncadd.s32 $0xFFFFFFFF  }
0xa5: {  	s26 =	simm.s32 $execute0_lowered;
	[smem:$0x3FD2] =	sst s25  }
0xa6: {  	s4 =	sshll.u32 s26, $0x1;
	_ =	strace $0x80000049;
	[dreg:$0x1] =	wrdreg $0xFFFFFFFF  }
0xa7: {  	s28 =	simm.s32 $_size_execute0_lowered;
	s2 =	sadd.s32 s2, s4;
	[dreg:$0x0] =	wrdreg $0x0  }
0xa8: {  	s4 =	sshll.u32 s28, $0x1;
	[dreg:$0x2] =	wrdreg s2  }
0xa9: {  	[dreg:$0x3] =	wrdreg s4  }
0xaa: {  	[dreg:$0x4] =	wrdreg $0xC0  }
0xab: {  	_ =	task [dreg:s6], $0x5FFFF  }
0xac: {  	[dreg:$0x1] =	wrdreg $0xFFFFFFFF  }
0xad: {  	[dreg:$0x0] =	wrdreg $0x60  }
0xae: {  	[dreg:$0x2] =	wrdreg s24  }
0xaf: {  	[dreg:$0x3] =	wrdreg $0x90000  }
0xb0: {  	[dreg:$0x4] =	wrdreg $0x9  }
0xb1: {  	_ =	task.clear_ibuf [dreg:s6], $0x5FFFF;
	_ =	strace $0x90000049  }
0xb2: {  	s29 =	simm.s32 $0x9;
	_ =	strace $0x8000004B  }
0xb3: {  	_ =	swait.ge [sflag:s29], $0x1  }
0xb4: {  	[sflag:s29] =	ssyncadd.s32 $0xFFFFFFFF  }
0xb5: {  	_ =	strace $0x9000004B  }
0xb6: {  	_ =	sfence  }
0xb7: {  	s30 =	sld [smem:$0x0];
	_ =	sdelay $0x2  }
0xb8: {  	s31 =	sshll.u32 s1, $0xD;
	s1 =	sshrl.u32 s1, $0x2  }
0xb9: {  	s3 =	sand.u32 $0x4000, s31;
	s1 =	sadd.s32 s1, s30  }
0xba: {  	s0 =	sor.u32 s3, s0;
	s1 =	sshll.u32 s1, $0x11  }
0xbb: {  	s0 =	sor.u32 s1, s0  }
0xbc: {  	s0 =	sadd.s32 $0x8F2B, s0  }
0xbd: {  	[sflag:s0] =	ssyncadd.remote.s32 $0x1  }
0xbe: {  	_ =	sfence.sel $0xFFFF  }
0xbf: {  	[dreg:$0x0] =	wrdreg $0xFFFFFFFF;
	(pc) =	sbr.abs _section_cstart, $3  }
0xc0: {  	[dreg:$0x1] =	wrdreg $0xFFFFFFFF  }
0xc1: {  	_ =	task.clear_ibuf [dreg:s6], $0x2FFFF;
	_ =	strace $0x9FFFFFFF  }
0xc2: {  	(tm) =	ssettm $0x7FFFFFFF  }
0xc3: {  	_ =	shalt  }
tec
execute0_lowered:
.L_overlay_start_1:
0x0: {  	(tag) =	ssettag $0x1  }
0x1: {  	s0 =	srdreg.scid;
	s7 =	rddreg [dreg:$0x0]  }
0x2: {  	s2 =	rddreg [dreg:$0x1];
	s3 =	simm.s32 $0x0;
	s19 =	simm.s32 $0x5000  }
0x3: {  	s20 =	simm.s32 $0x2;
	s6 =	sand.u32 $0x1, s0;
	s0 =	stileid.u32  }
0x4: {  	s21 =	simm.s32 $0x2800;
	s22 =	simm.s32 $0x80;
	s8 =	smul.u32 $0x280, s0  }
0x5: {  	s23 =	simm.s32 $0x1;
	s24 =	simm.s32 $0x0;
	s9 =	smul.u32 $0x2800, s6  }
0x6: {  	[smem:$0x7FF] =	sst s3;
	s1 =	sshll.u32 s6, $0x4;
	s11 =	smul.u32 $0x50000, s0  }
0x7: {  	s6 =	ssub.s32 $0x2, s6;
	s4 =	sor.u32 s0, s1;
	s1 =	rddreg [dreg:$0x2]  }
0x8: {  	_ =	strace $0x8000004A;
	s31 =	sshrl.u32 s6, $0x1;
	s5 =	smul.u32 $0x500, s4  }
0x9: {  	s4 =	sadd.s32 $0x19000, s7;
	s8 =	sadd.s32 s9, s8;
	s11 =	sshrl.u32 s11, $0x2  }
0xa: {  	s9 =	ssub.s32 s6, s31;
	s8 =	sshll.u32 s8, $0x4;
	s6 =	sadd.s32 s11, s2  }
0xb: {  	s9 =	smax.u32 s9, $0x1;
	s10 =	sadd.s32 s5, s7;
	s5 =	sadd.s32 $0x41000, s7  }
0xc: {  	s18 =	sadd.s32 s8, s7;
	s11 =	sadd.s32 $0x8000, s6;
	s12 =	sadd.s32 $0xC000, s6  }
0xd: {  	s13 =	sadd.s32 $0x10000, s6;
	s7 =	sadd.s32 $0x5000, s10;
	s8 =	sadd.s32 $0xF000, s10  }
0xe: {  	s10 =	sadd.s32 $0x4000, s6;
	s14 =	sadd.s32 $0x41800, s18;
	s15 =	sadd.s32 $0x42000, s18  }
0xf: {  	s16 =	sadd.s32 $0x42800, s18;
	s17 =	sadd.s32 $0x43000, s18;
	s18 =	sadd.s32 $0x43800, s18  }
.LBB2_1:
0x10: {  	[tilespmem:s19], [sflag:$0x2] =	stream.linear.gather [hbm4b:s5+s3], $0x4000, $0x38;
	[tilespmem:$0x1D000] =	vst v63  }
0x11: {  	_ =	swait.ge [sflag:s20], $0x4000  }
0x12: {  	[sflag:s20] =	ssyncset.done $0x0  }
0x13: {  	[sflag:s20] =	ssyncadd.s32 $0xFFFFC000  }
0x14: {  	[spmem:s6] =	stream.linear.scatter [tilespmem:s19], [sflag:$0x2], $0x4000, $0x38;
	[tilespmem:$0x1D000] =	vst v63  }
0x15: {  	_ =	swait.ge [sflag:s20], $0x4000  }
0x16: {  	[sflag:s20] =	ssyncset.done $0x0  }
0x17: {  	[sflag:s20] =	ssyncadd.s32 $0xFFFFC000  }
0x18: {  	[spmem:s10] =	stream.linear.scatter [tilespmem:s19], [sflag:$0x2], $0x4000, $0x38;
	[tilespmem:$0x1D000] =	vst v63  }
0x19: {  	_ =	swait.ge [sflag:s20], $0x4000  }
0x1a: {  	[sflag:s20] =	ssyncset.done $0x0  }
0x1b: {  	[sflag:s20] =	ssyncadd.s32 $0xFFFFC000  }
0x1c: {  	[spmem:s11] =	stream.linear.scatter [tilespmem:s19], [sflag:$0x2], $0x4000, $0x38;
	[tilespmem:$0x1D000] =	vst v63  }
0x1d: {  	_ =	swait.ge [sflag:s20], $0x4000  }
0x1e: {  	[sflag:s20] =	ssyncset.done $0x0  }
0x1f: {  	[sflag:s20] =	ssyncadd.s32 $0xFFFFC000  }
0x20: {  	[spmem:s12] =	stream.linear.scatter [tilespmem:s19], [sflag:$0x2], $0x4000, $0x38;
	[tilespmem:$0x1D000] =	vst v63  }
0x21: {  	_ =	swait.ge [sflag:s20], $0x4000  }
0x22: {  	[sflag:s20] =	ssyncset.done $0x0  }
0x23: {  	[sflag:s20] =	ssyncadd.s32 $0xFFFFC000  }
0x24: {  	[spmem:s13] =	stream.linear.scatter [tilespmem:s19], [sflag:$0x2], $0x4000, $0x38;
	[tilespmem:$0x1D000] =	vst v63  }
0x25: {  	_ =	swait.ge [sflag:s20], $0x4000  }
0x26: {  	[sflag:s20] =	ssyncset.done $0x0  }
0x27: {  	[sflag:s20] =	ssyncadd.s32 $0xFFFFC000  }
0x28: {  	[tilespmem:s3], [sflag:$0x2] =	stream.linear.gather [hbm4b:s7+s3], $0x2780, $0x38;
	[tilespmem:$0x1D000] =	vst v63  }
0x29: {  	_ =	swait.ge [sflag:s20], $0x2780  }
0x2a: {  	[sflag:s20] =	ssyncset.done $0x0  }
0x2b: {  	[sflag:s20] =	ssyncadd.s32 $0xFFFFD880  }
0x2c: {  	[tilespmem:s21], [sflag:$0x2] =	stream.linear.gather [hbm4b:s8+s3], $0x2780, $0x38;
	[tilespmem:$0x1D000] =	vst v63  }
0x2d: {  	_ =	swait.ge [sflag:s20], $0x2780  }
0x2e: {  	[sflag:s20] =	ssyncset.done $0x0  }
0x2f: {  	[sflag:s20] =	ssyncadd.s32 $0xFFFFD880  }
0x30: {  	s25 =	simm.s32 $0x0;
	[bflag:$0x0] =	sbarrier.arrive $0xFFFF  }
0x31: {  	[tilespmem:s19], [sflag:$0x1] =	stream.indirect.gather [hbm4b:s4+s22], $0x80, s25, s22, $0xb8;
	[tilespmem:$0x1D000] =	vst v63  }
0x32: {  	_ =	swait.ge [sflag:s23], $0x4000  }
0x33: {  	[sflag:s23] =	ssyncset.done $0x0  }
0x34: {  	s31 =	simm.s32 $0x2800;
	[sflag:s23] =	ssyncadd.s32 $0xFFFFC000  }
0x35: {  	[spmem:s2] =	stream.indirect.scatter.add.f32 [tilespmem:s19], [sflag:$0x2], $0x80, s31, s22, $0xb8;
	[tilespmem:$0x1D000] =	vst v63  }
0x36: {  	_ =	swait.ge [sflag:s20], $0x4000  }
0x37: {  	s26 =	simm.s32 $0x400;
	s25 =	simm.s32 $0x200;
	[sflag:s20] =	ssyncset.done $0x0  }
.LBB2_2:
0x38: {  	s28 =	sshra.s32 s25, $0x2  }
0x39: {  	[sflag:s20] =	ssyncadd.s32 $0xFFFFC000;
	s25 =	smov.u32 s26;
	s29 =	sadd.s32 $0x200, s26  }
0x3a: {  	[tilespmem:s19], [sflag:$0x1] =	stream.indirect.gather [hbm4b:s4+s22], $0x80, s28, s22, $0xb8;
	[tilespmem:$0x1D000] =	vst v63  }
0x3b: {  	p0 =	sne.s32 s26, $0x9C00;
	_ =	swait.ge [sflag:s23], $0x4000  }
.Ltmp0:
0x3c: {  	[sflag:s23] =	ssyncset.done $0x0;
	(pc) =	sbr.rel @p0 .LBB2_2-.Ltmp0, $4  }
0x3d: {  	s26 =	sadd.s32 $0x2800, s28;
	[sflag:s23] =	ssyncadd.s32 $0xFFFFC000  }
0x3e: {  	[spmem:s2] =	stream.indirect.scatter.add.f32 [tilespmem:s19], [sflag:$0x2], $0x80, s26, s22, $0xb8;
	[tilespmem:$0x1D000] =	vst v63  }
0x3f: {  	_ =	swait.ge [sflag:s20], $0x4000  }
0x40: {  	s26 =	smov.u32 s29;
	[sflag:s20] =	ssyncset.done $0x0  }
0x41: {  	s25 =	sshra.s32 s25, $0x2;
	[sflag:s20] =	ssyncadd.s32 $0xFFFFC000  }
0x42: {  	[tilespmem:s19], [sflag:$0x1] =	stream.indirect.gather [hbm4b:s4+s22], $0x80, s25, s22, $0xb8;
	[tilespmem:$0x1D000] =	vst v63  }
0x43: {  	_ =	swait.ge [sflag:s23], $0x4000  }
0x44: {  	[sflag:s23] =	ssyncset.done $0x0  }
0x45: {  	s25 =	sadd.s32 $0x2800, s25;
	[sflag:s23] =	ssyncadd.s32 $0xFFFFC000  }
0x46: {  	[spmem:s2] =	stream.indirect.scatter.add.f32 [tilespmem:s19], [sflag:$0x2], $0x80, s25, s22, $0xb8;
	[tilespmem:$0x1D000] =	vst v63  }
0x47: {  	_ =	swait.ge [sflag:s20], $0x4000  }
0x48: {  	[sflag:s20] =	ssyncset.done $0x0  }
0x49: {  	[sflag:s20] =	ssyncadd.s32 $0xFFFFC000  }
0x4a: {  	[bflag:$0x0] =	sbarrier.arrive $0xFFFF  }
0x4b: {  	[tilespmem:s19], [sflag:$0x2] =	stream.linear.gather [spmem:s6], $0x4000, $0x38;
	[tilespmem:$0x1D000] =	vst v63  }
0x4c: {  	_ =	swait.ge [sflag:s20], $0x4000  }
0x4d: {  	[sflag:s20] =	ssyncset.done $0x0  }
0x4e: {  	[sflag:s20] =	ssyncadd.s32 $0xFFFFC000  }
0x4f: {  	[hbm4b:s14+s3] =	stream.linear.scatter [tilespmem:s19], [sflag:$0x2], $0x4000, $0x38;
	[tilespmem:$0x1D000] =	vst v63  }
0x50: {  	_ =	swait.ge [sflag:s20], $0x4000  }
0x51: {  	[sflag:s20] =	ssyncset.done $0x0  }
0x52: {  	[sflag:s20] =	ssyncadd.s32 $0xFFFFC000  }
0x53: {  	[tilespmem:s19], [sflag:$0x2] =	stream.linear.gather [spmem:s10], $0x4000, $0x38;
	[tilespmem:$0x1D000] =	vst v63  }
0x54: {  	_ =	swait.ge [sflag:s20], $0x4000  }
0x55: {  	[sflag:s20] =	ssyncset.done $0x0  }
0x56: {  	[sflag:s20] =	ssyncadd.s32 $0xFFFFC000  }
0x57: {  	[hbm4b:s15+s3] =	stream.linear.scatter [tilespmem:s19], [sflag:$0x2], $0x4000, $0x38;
	[tilespmem:$0x1D000] =	vst v63  }
0x58: {  	_ =	swait.ge [sflag:s20], $0x4000  }
0x59: {  	[sflag:s20] =	ssyncset.done $0x0  }
0x5a: {  	[sflag:s20] =	ssyncadd.s32 $0xFFFFC000  }
0x5b: {  	[tilespmem:s19], [sflag:$0x2] =	stream.linear.gather [spmem:s11], $0x4000, $0x38;
	[tilespmem:$0x1D000] =	vst v63  }
0x5c: {  	_ =	swait.ge [sflag:s20], $0x4000  }
0x5d: {  	[sflag:s20] =	ssyncset.done $0x0  }
0x5e: {  	[sflag:s20] =	ssyncadd.s32 $0xFFFFC000  }
0x5f: {  	[hbm4b:s16+s3] =	stream.linear.scatter [tilespmem:s19], [sflag:$0x2], $0x4000, $0x38;
	[tilespmem:$0x1D000] =	vst v63  }
0x60: {  	_ =	swait.ge [sflag:s20], $0x4000  }
0x61: {  	[sflag:s20] =	ssyncset.done $0x0  }
0x62: {  	[sflag:s20] =	ssyncadd.s32 $0xFFFFC000  }
0x63: {  	[tilespmem:s19], [sflag:$0x2] =	stream.linear.gather [spmem:s12], $0x4000, $0x38;
	[tilespmem:$0x1D000] =	vst v63  }
0x64: {  	_ =	swait.ge [sflag:s20], $0x4000  }
0x65: {  	[sflag:s20] =	ssyncset.done $0x0  }
0x66: {  	[sflag:s20] =	ssyncadd.s32 $0xFFFFC000  }
0x67: {  	[hbm4b:s17+s3] =	stream.linear.scatter [tilespmem:s19], [sflag:$0x2], $0x4000, $0x38;
	[tilespmem:$0x1D000] =	vst v63  }
0x68: {  	_ =	swait.ge [sflag:s20], $0x4000  }
0x69: {  	[sflag:s20] =	ssyncset.done $0x0  }
0x6a: {  	[sflag:s20] =	ssyncadd.s32 $0xFFFFC000  }
0x6b: {  	[tilespmem:s19], [sflag:$0x2] =	stream.linear.gather [spmem:s13], $0x4000, $0x38;
	[tilespmem:$0x1D000] =	vst v63  }
0x6c: {  	s24 =	sadd.s32 $0x1, s24;
	_ =	swait.ge [sflag:s20], $0x4000  }
0x6d: {  	p0 =	sne.s32 s24, s9;
	[sflag:s20] =	ssyncset.done $0x0  }
.Ltmp1:
0x6e: {  	[sflag:s20] =	ssyncadd.s32 $0xFFFFC000;
	(pc) =	sbr.rel @p0 .LBB2_1-.Ltmp1, $4  }
0x6f: {  	[hbm4b:s18+s3] =	stream.linear.scatter [tilespmem:s19], [sflag:$0x2], $0x4000, $0x38;
	[tilespmem:$0x1D000] =	vst v63  }
0x70: {  	_ =	swait.ge [sflag:s20], $0x4000  }
0x71: {  	[sflag:s20] =	ssyncset.done $0x0  }
0x72: {  	[sflag:s20] =	ssyncadd.s32 $0xFFFFC000  }
0x73: {  	_ =	sfence.sel $0x180000  }
0x74: {  	[bflag:$0x0] =	sbarrier.arrive $0xFFFF  }
0x75: {  	p0 =	sne.s32 s0, $0x0;
	_ =	strace $0x9000004A  }
0x76: {  	s0 =	sadd.s32 @!p0 $0x100000, s1;
	[bflag:$0x2] =	sbarrier.arrive $0xFFFF  }
0x77: {  	[sflag:s0] =	ssyncadd.tile.s32 @!p0 $0x1;
	_ =	shalt  }
.Lfunc_end2:
_tile_overlayer_lowered:
.L_overlay_start_2:
0x78: {  	(tag) =	ssettag $0x2  }
0x79: {  	s0 =	rddreg [dreg:$0x0];
	s2 =	stileid.u32  }
0x7a: {  	s1 =	rddreg [dreg:$0x1];
	p0 =	sne.s32 s2, $0x0  }
0x7b: {  	s3 =	rddreg [dreg:$0x2];
	[bflag:$0x3] =	sbarrier.arrive $0xFFFF;
	s2 =	simm.s32 @!p0 $0x1C02  }
0x7c: {  	[timem:s3], [sflag:s2] =	dma.local @!p0 [hbm:s0], s1  }
0x7d: {  	s0 =	simm.s32 @!p0 $0x2  }
0x7e: {  	_ =	swait.ge @!p0 [sflag:s0], s1  }
0x7f: {  	s1 =	ssub.s32 @!p0 $0x0, s1;
	[sflag:s0] =	ssyncset.done @!p0 $0x0  }
0x80: {  	[sflag:s0] =	ssyncadd.s32 @!p0 s1  }
0x81: {  	[bflag:$0x3] =	sbarrier.arrive $0xFFFF  }
0x82: {  	_ =	shalt  }

// kernel: kernel.15.cloned.1.call-start
scs
__scs_entry_jumppad:
0x0: {  	(pc) =	sbr.rel $0x88, $3  }
0x1: {  	(tag) =	ssettag $0x0;
	lr =	simm.s32 $0x1  }
0x2: {  	[smem:$0x3F88] =	sst lr;
	_ =	strace $0xD0000000  }
0x3: {  	_ = 	snop  }
0x4: {  	_ = 	snop  }
0x5: {  	_ = 	snop  }
0x6: {  	_ = 	snop  }
0x7: {  	_ = 	snop  }
__scs_overlays_trampoline_lowered:
0x8: {  	[smem:$0x3F97] =	sst s0  }
0x9: {  	[smem:$0x3F98] =	sst s1  }
0xa: {  	[smem:$0x3F99] =	sst s2  }
0xb: {  	[smem:$0x3F9A] =	sst s3  }
0xc: {  	[smem:$0x3F9B] =	sst s4  }
0xd: {  	[smem:$0x3F9C] =	sst s5  }
0xe: {  	[smem:$0x3F9D] =	sst s6  }
0xf: {  	[smem:$0x3F9E] =	sst s7  }
0x10: {  	[smem:$0x3F9F] =	sst s8  }
0x11: {  	[smem:$0x3FA0] =	sst s9;
	s0 =	simm.s32 @!p0 $0x0  }
0x12: {  	s1 =	sld [smem:$0x3F86];
	s0 =	simm.s32 @p0 $0x1  }
0x13: {  	[smem:$0x3FA1] =	sst s0;
	s0 =	simm.s32 @!p1 $0x0  }
0x14: {  	s2 =	sld [smem:$0x3F85];
	s0 =	simm.s32 @p1 $0x1  }
0x15: {  	[smem:$0x3FA2] =	sst s0;
	s0 =	simm.s32 @!p2 $0x0  }
0x16: {  	s3 =	sld [smem:$0x3FDB];
	s0 =	simm.s32 @p2 $0x1  }
0x17: {  	s4 =	simm.s32 $0x1BF5;
	[smem:$0x3FA4] =	sst s0  }
0x18: {  	s0 =	sld [smem:$0x3F87];
	_ =	swait.ge [sflag:s4], $0x0  }
0x19: {  	s7 =	sld [smem:$0x3F88]  }
0x1a: {  	s8 =	sadd.s32 $0xFFFFE003, lr  }
0x1b: {  	s9 =	sadd.s32 $0xFFFFFEF7, lr;
	s5 =	simm.s32 $0xFFFFFFFF;
	p2 =	slt.u32 s8, $0xFFFFF086  }
0x1c: {  	p1 =	slt.u32 s9, $0xF7A;
	s5 =	simm.s32 @!p2 $0x0  }
0x1d: {  	s5 =	simm.s32 @p1 $0x1;
	p0 =	seq.s32 s7, s2  }
0x1e: {  	s7 =	smul.u32 @!p0 $0xF7A, s2;
	p2 =	seq.s32 @!p0 s5, $0x0  }
0x1f: {  	s9 =	smul.u32 $0xF7A, s1;
	s8 =	simm.s32 @!p0 $0x1BF5;
	p2 =	por !p2, p0  }
0x20: {  	[sflag:s8] =	ssyncset.s32 @!p0 $0xFFFFF086;
	s6 =	sadd.s32 @!p0 s3, s7;
	s7 =	simm.s32 @!p0 $0x108  }
0x21: {  	s3 =	sadd.s32 s3, s9;
	s6 =	sadd.s32 @!p0 $0x88, s6;
	s7 =	simm.s32 @p2 $0x1082  }
0x22: {  	[simem:s7], [sflag:s8] =	dma.local @!p0 [hbm:s6], $0xF7A  }
0x23: {  	s9 =	sor.u32 $0xD0000000, s2;
	s6 =	simm.s32 $0x108;
	_ =	swait.ge @!p0 [sflag:s8], $0x0  }
0x24: {  	s3 =	sadd.s32 $0x88, s3;
	s6 =	simm.s32 @!p1 $0x1082;
	[sflag:s4] =	ssyncset.s32 $0xFFFFF086  }
0x25: {  	[simem:s6], [sflag:s4] =	dma.local [hbm:s3], $0xF7A  }
0x26: {  	[smem:$0x3F88] =	sst s1;
	(tag) =	ssettag s2;
	_ =	strace s9  }
0x27: {  	s1 =	sld [smem:$0x3F98]  }
0x28: {  	s2 =	sld [smem:$0x3F99]  }
0x29: {  	s4 =	sld [smem:$0x3F9B]  }
0x2a: {  	p0 =	seq.s32 s5, $0x0;
	s5 =	sld [smem:$0x3F9C]  }
0x2b: {  	s6 =	sld [smem:$0x3F9D]  }
0x2c: {  	s7 =	sld [smem:$0x3F9E]  }
0x2d: {  	s3 =	simm.s32 $0x108;
	s8 =	sld [smem:$0x3F9F]  }
0x2e: {  	s3 =	simm.s32 @!p0 $0x1082;
	s9 =	sld [smem:$0x3FA0]  }
0x2f: {  	lr =	sadd.s32 s0, s3;
	s0 =	sld [smem:$0x3F97]  }
0x30: {  	s3 =	sld [smem:$0x3F9A]  }
0x31: {  	[smem:$0x3FA3] =	sst s10  }
0x32: {  	s10 =	sld [smem:$0x3FA1];
	_ =	sdelay $0x3  }
0x33: {  	p0 =	seq.s32 s10, $0x1;
	s10 =	sld [smem:$0x3FA3];
	_ =	sdelay $0x3  }
0x34: {  	[smem:$0x3FA3] =	sst s10  }
0x35: {  	s10 =	sld [smem:$0x3FA2];
	_ =	sdelay $0x3  }
0x36: {  	p1 =	seq.s32 s10, $0x1;
	s10 =	sld [smem:$0x3FA3];
	_ =	sdelay $0x3  }
0x37: {  	[smem:$0x3FA3] =	sst s10  }
0x38: {  	s10 =	sld [smem:$0x3FA4]  }
0x39: {  	_ = 	snop;
	(pc) =	sbr.ind lr, $3  }
0x3a: {  	_ = 	snop  }
0x3b: {  	_ = 	snop  }
0x3c: {  	p2 =	seq.s32 s10, $0x1;
	s10 =	sld [smem:$0x3FA3]  }
0x3d: {  	_ =	shalt  }
0x3e: {  	_ =	shalt  }
0x3f: {  	_ =	shalt  }
0x40: {  	_ =	shalt  }
0x41: {  	_ =	shalt  }
0x42: {  	_ =	shalt  }
0x43: {  	_ =	shalt  }
0x44: {  	_ =	shalt  }
0x45: {  	_ =	shalt  }
0x46: {  	_ =	shalt  }
0x47: {  	_ =	shalt  }
0x48: {  	_ =	shalt  }
0x49: {  	_ =	shalt  }
0x4a: {  	_ =	shalt  }
0x4b: {  	_ =	shalt  }
0x4c: {  	_ =	shalt  }
0x4d: {  	_ =	shalt  }
0x4e: {  	_ =	shalt  }
0x4f: {  	_ =	shalt  }
0x50: {  	_ =	shalt  }
0x51: {  	_ =	shalt  }
0x52: {  	_ =	shalt  }
0x53: {  	_ =	shalt  }
0x54: {  	_ =	shalt  }
0x55: {  	_ =	shalt  }
0x56: {  	_ =	shalt  }
0x57: {  	_ =	shalt  }
0x58: {  	_ =	shalt  }
0x59: {  	_ =	shalt  }
0x5a: {  	_ =	shalt  }
0x5b: {  	_ =	shalt  }
0x5c: {  	_ =	shalt  }
0x5d: {  	_ =	shalt  }
0x5e: {  	_ =	shalt  }
0x5f: {  	_ =	shalt  }
0x60: {  	_ =	shalt  }
0x61: {  	_ =	shalt  }
0x62: {  	_ =	shalt  }
0x63: {  	_ =	shalt  }
0x64: {  	_ =	shalt  }
0x65: {  	_ =	shalt  }
0x66: {  	_ =	shalt  }
0x67: {  	_ =	shalt  }
0x68: {  	_ =	shalt  }
0x69: {  	_ =	shalt  }
0x6a: {  	_ =	shalt  }
0x6b: {  	_ =	shalt  }
0x6c: {  	_ =	shalt  }
0x6d: {  	_ =	shalt  }
0x6e: {  	_ =	shalt  }
0x6f: {  	_ =	shalt  }
0x70: {  	_ =	shalt  }
0x71: {  	_ =	shalt  }
0x72: {  	_ =	shalt  }
0x73: {  	_ =	shalt  }
0x74: {  	_ =	shalt  }
0x75: {  	_ =	shalt  }
0x76: {  	_ =	shalt  }
0x77: {  	_ =	shalt  }
0x78: {  	_ =	shalt  }
0x79: {  	_ =	shalt  }
0x7a: {  	_ =	shalt  }
0x7b: {  	_ =	shalt  }
0x7c: {  	_ =	shalt  }
0x7d: {  	_ =	shalt  }
0x7e: {  	_ =	shalt  }
0x7f: {  	_ =	shalt  }
0x80: {  	_ =	shalt  }
0x81: {  	_ =	shalt  }
0x82: {  	_ =	shalt  }
0x83: {  	_ =	shalt  }
0x84: {  	_ =	shalt  }
0x85: {  	_ =	shalt  }
0x86: {  	_ =	shalt  }
0x87: {  	_ =	shalt  }
.Lfunc_end0:
.L_simem_size_0:
called_computation.2_lowered:
.L_overlay_start_0:
0x88: {  	s2 =	sld [smem:$0x3FD9]  }
0x89: {  	s3 =	sld [smem:$0x3FFE];
	_ =	sdelay $0x1  }
0x8a: {  	s1 =	srdreg.scid  }
0x8b: {  	s0 =	sand.u32 $0x1, s1  }
0x8c: {  	s16 =	sshll.u32 s0, $0xA;
	s2 =	sadd.s32 s3, s2  }
0x8d: {  	s2 =	sadd.s32 s2, s16  }
0x8e: {  	[smem:$0x3FAF] =	sst s2  }
0x8f: {  	_ = 	snop  }
0x90: {  	(tm) =	ssettm $0x1  }
0x91: {  	s17 =	sld [smem:$0x3FFB];
	_ =	sdelay $0x3  }
0x92: {  	_ =	strace s17  }
0x93: {  	s2 =	sld [smem:$0x3FFC];
	_ =	sdelay $0x3  }
0x94: {  	_ =	strace s2  }
0x95: {  	s2 =	sld [smem:$0x3FFD];
	_ =	sdelay $0x3  }
0x96: {  	_ =	strace s2  }
0x97: {  	_ =	strace $0x8FFFFFFF  }
0x98: {  	s18 =	sld [smem:$0x3FDB];
	_ =	sdelay $0x1  }
0x99: {  	s19 =	simm.s32 $_scs_section_size  }
0x9a: {  	s4 =	simm.s32 $_size__tile_overlayer_lowered;
	s5 =	simm.s32 $_tile_overlayer_lowered  }
0x9b: {  	s22 =	simm.s32 $0x1BFF;
	s21 =	sshll.u32 s5, $0x1;
	s2 =	sadd.s32 s19, s18  }
0x9c: {  	s6 =	simm.s32 $0x0;
	s20 =	sshll.u32 s4, $0x1;
	s4 =	sadd.s32 s21, s2  }
0x9d: {  	[timem:s6], [sflag:s22] =	dma.local [hbm:s4], s20  }
0x9e: {  	_ =	swait.ge [sflag:s22], s20  }
0x9f: {  	s3 =	ssub.s32 $0x0, s20;
	[sflag:s22] =	ssyncset.done $0x0  }
0xa0: {  	[sflag:s22] =	ssyncadd.s32 s3;
	_ =	sdelay $0x1  }
0xa1: {  	s23 =	simm.s32 $0x1B8B  }
0xa2: {  	_ =	swait.ge [sflag:s23], $0x1  }
0xa3: {  	[sflag:s23] =	ssyncset.done $0x0  }
0xa4: {  	s25 =	simm.s32 $0x1B8E;
	s24 =	sld [smem:$0x3FFE];
	[sflag:s23] =	ssyncadd.s32 $0xFFFFFFFF  }
0xa5: {  	s26 =	simm.s32 $execute0_lowered;
	[smem:$0x3FD2] =	sst s25  }
0xa6: {  	s4 =	sshll.u32 s26, $0x1;
	_ =	strace $0x8000004C;
	[dreg:$0x1] =	wrdreg $0xFFFFFFFF  }
0xa7: {  	s28 =	simm.s32 $_size_execute0_lowered;
	s2 =	sadd.s32 s2, s4;
	[dreg:$0x0] =	wrdreg $0x0  }
0xa8: {  	s4 =	sshll.u32 s28, $0x1;
	[dreg:$0x2] =	wrdreg s2  }
0xa9: {  	[dreg:$0x3] =	wrdreg s4  }
0xaa: {  	[dreg:$0x4] =	wrdreg $0xC0  }
0xab: {  	_ =	task [dreg:s6], $0x5FFFF  }
0xac: {  	[dreg:$0x1] =	wrdreg $0xFFFFFFFF  }
0xad: {  	[dreg:$0x0] =	wrdreg $0x60  }
0xae: {  	[dreg:$0x2] =	wrdreg s24  }
0xaf: {  	[dreg:$0x3] =	wrdreg $0x90000  }
0xb0: {  	[dreg:$0x4] =	wrdreg $0x9  }
0xb1: {  	_ =	task.clear_ibuf [dreg:s6], $0x5FFFF;
	_ =	strace $0x9000004C  }
0xb2: {  	s29 =	simm.s32 $0x9;
	_ =	strace $0x8000004E  }
0xb3: {  	_ =	swait.ge [sflag:s29], $0x1  }
0xb4: {  	[sflag:s29] =	ssyncadd.s32 $0xFFFFFFFF  }
0xb5: {  	_ =	strace $0x9000004E  }
0xb6: {  	_ =	sfence  }
0xb7: {  	s30 =	sld [smem:$0x0];
	_ =	sdelay $0x2  }
0xb8: {  	s31 =	sshll.u32 s1, $0xD;
	s1 =	sshrl.u32 s1, $0x2  }
0xb9: {  	s3 =	sand.u32 $0x4000, s31;
	s1 =	sadd.s32 s1, s30  }
0xba: {  	s0 =	sor.u32 s3, s0;
	s1 =	sshll.u32 s1, $0x11  }
0xbb: {  	s0 =	sor.u32 s1, s0  }
0xbc: {  	s0 =	sadd.s32 $0x8F2B, s0  }
0xbd: {  	[sflag:s0] =	ssyncadd.remote.s32 $0x1  }
0xbe: {  	_ =	sfence.sel $0xFFFF  }
0xbf: {  	[dreg:$0x0] =	wrdreg $0xFFFFFFFF;
	(pc) =	sbr.abs _section_cstart, $3  }
0xc0: {  	[dreg:$0x1] =	wrdreg $0xFFFFFFFF  }
0xc1: {  	_ =	task.clear_ibuf [dreg:s6], $0x2FFFF;
	_ =	strace $0x9FFFFFFF  }
0xc2: {  	(tm) =	ssettm $0x7FFFFFFF  }
0xc3: {  	_ =	shalt  }
tec
execute0_lowered:
.L_overlay_start_1:
0x0: {  	(tag) =	ssettag $0x1  }
0x1: {  	s0 =	srdreg.scid;
	s7 =	rddreg [dreg:$0x0]  }
0x2: {  	s2 =	rddreg [dreg:$0x1];
	s3 =	simm.s32 $0x0;
	s19 =	simm.s32 $0x5000  }
0x3: {  	s20 =	simm.s32 $0x2;
	s6 =	sand.u32 $0x1, s0;
	s0 =	stileid.u32  }
0x4: {  	s21 =	simm.s32 $0x2800;
	s22 =	simm.s32 $0x80;
	s8 =	smul.u32 $0x280, s0  }
0x5: {  	s23 =	simm.s32 $0x1;
	s24 =	simm.s32 $0x0;
	s9 =	smul.u32 $0x2800, s6  }
0x6: {  	[smem:$0x7FF] =	sst s3;
	s1 =	sshll.u32 s6, $0x4;
	s11 =	smul.u32 $0x50000, s0  }
0x7: {  	s6 =	ssub.s32 $0x2, s6;
	s4 =	sor.u32 s0, s1;
	s1 =	rddreg [dreg:$0x2]  }
0x8: {  	_ =	strace $0x8000004D;
	s31 =	sshrl.u32 s6, $0x1;
	s5 =	smul.u32 $0x500, s4  }
0x9: {  	s4 =	sadd.s32 $0x19000, s7;
	s8 =	sadd.s32 s9, s8;
	s11 =	sshrl.u32 s11, $0x2  }
0xa: {  	s9 =	ssub.s32 s6, s31;
	s8 =	sshll.u32 s8, $0x4;
	s6 =	sadd.s32 s11, s2  }
0xb: {  	s9 =	smax.u32 s9, $0x1;
	s10 =	sadd.s32 s5, s7;
	s5 =	sadd.s32 $0x41000, s7  }
0xc: {  	s18 =	sadd.s32 s8, s7;
	s11 =	sadd.s32 $0x8000, s6;
	s12 =	sadd.s32 $0xC000, s6  }
0xd: {  	s13 =	sadd.s32 $0x10000, s6;
	s7 =	sadd.s32 $0x5000, s10;
	s8 =	sadd.s32 $0xF000, s10  }
0xe: {  	s10 =	sadd.s32 $0x4000, s6;
	s14 =	sadd.s32 $0x41800, s18;
	s15 =	sadd.s32 $0x42000, s18  }
0xf: {  	s16 =	sadd.s32 $0x42800, s18;
	s17 =	sadd.s32 $0x43000, s18;
	s18 =	sadd.s32 $0x43800, s18  }
.LBB2_1:
0x10: {  	[tilespmem:s19], [sflag:$0x2] =	stream.linear.gather [hbm4b:s5+s3], $0x4000, $0x38;
	[tilespmem:$0x1D000] =	vst v63  }
0x11: {  	_ =	swait.ge [sflag:s20], $0x4000  }
0x12: {  	[sflag:s20] =	ssyncset.done $0x0  }
0x13: {  	[sflag:s20] =	ssyncadd.s32 $0xFFFFC000  }
0x14: {  	[spmem:s6] =	stream.linear.scatter [tilespmem:s19], [sflag:$0x2], $0x4000, $0x38;
	[tilespmem:$0x1D000] =	vst v63  }
0x15: {  	_ =	swait.ge [sflag:s20], $0x4000  }
0x16: {  	[sflag:s20] =	ssyncset.done $0x0  }
0x17: {  	[sflag:s20] =	ssyncadd.s32 $0xFFFFC000  }
0x18: {  	[spmem:s10] =	stream.linear.scatter [tilespmem:s19], [sflag:$0x2], $0x4000, $0x38;
	[tilespmem:$0x1D000] =	vst v63  }
0x19: {  	_ =	swait.ge [sflag:s20], $0x4000  }
0x1a: {  	[sflag:s20] =	ssyncset.done $0x0  }
0x1b: {  	[sflag:s20] =	ssyncadd.s32 $0xFFFFC000  }
0x1c: {  	[spmem:s11] =	stream.linear.scatter [tilespmem:s19], [sflag:$0x2], $0x4000, $0x38;
	[tilespmem:$0x1D000] =	vst v63  }
0x1d: {  	_ =	swait.ge [sflag:s20], $0x4000  }
0x1e: {  	[sflag:s20] =	ssyncset.done $0x0  }
0x1f: {  	[sflag:s20] =	ssyncadd.s32 $0xFFFFC000  }
0x20: {  	[spmem:s12] =	stream.linear.scatter [tilespmem:s19], [sflag:$0x2], $0x4000, $0x38;
	[tilespmem:$0x1D000] =	vst v63  }
0x21: {  	_ =	swait.ge [sflag:s20], $0x4000  }
0x22: {  	[sflag:s20] =	ssyncset.done $0x0  }
0x23: {  	[sflag:s20] =	ssyncadd.s32 $0xFFFFC000  }
0x24: {  	[spmem:s13] =	stream.linear.scatter [tilespmem:s19], [sflag:$0x2], $0x4000, $0x38;
	[tilespmem:$0x1D000] =	vst v63  }
0x25: {  	_ =	swait.ge [sflag:s20], $0x4000  }
0x26: {  	[sflag:s20] =	ssyncset.done $0x0  }
0x27: {  	[sflag:s20] =	ssyncadd.s32 $0xFFFFC000  }
0x28: {  	[tilespmem:s3], [sflag:$0x2] =	stream.linear.gather [hbm4b:s7+s3], $0x2780, $0x38;
	[tilespmem:$0x1D000] =	vst v63  }
0x29: {  	_ =	swait.ge [sflag:s20], $0x2780  }
0x2a: {  	[sflag:s20] =	ssyncset.done $0x0  }
0x2b: {  	[sflag:s20] =	ssyncadd.s32 $0xFFFFD880  }
0x2c: {  	[tilespmem:s21], [sflag:$0x2] =	stream.linear.gather [hbm4b:s8+s3], $0x2780, $0x38;
	[tilespmem:$0x1D000] =	vst v63  }
0x2d: {  	_ =	swait.ge [sflag:s20], $0x2780  }
0x2e: {  	[sflag:s20] =	ssyncset.done $0x0  }
0x2f: {  	[sflag:s20] =	ssyncadd.s32 $0xFFFFD880  }
0x30: {  	s25 =	simm.s32 $0x0;
	[bflag:$0x0] =	sbarrier.arrive $0xFFFF  }
0x31: {  	[tilespmem:s19], [sflag:$0x1] =	stream.indirect.gather [hbm4b:s4+s22], $0x80, s25, s22, $0xb8;
	[tilespmem:$0x1D000] =	vst v63  }
0x32: {  	_ =	swait.ge [sflag:s23], $0x4000  }
0x33: {  	[sflag:s23] =	ssyncset.done $0x0  }
0x34: {  	s31 =	simm.s32 $0x2800;
	[sflag:s23] =	ssyncadd.s32 $0xFFFFC000  }
0x35: {  	[spmem:s2] =	stream.indirect.scatter.add.f32 [tilespmem:s19], [sflag:$0x2], $0x80, s31, s22, $0xb8;
	[tilespmem:$0x1D000] =	vst v63  }
0x36: {  	_ =	swait.ge [sflag:s20], $0x4000  }
0x37: {  	s26 =	simm.s32 $0x400;
	s25 =	simm.s32 $0x200;
	[sflag:s20] =	ssyncset.done $0x0  }
.LBB2_2:
0x38: {  	s28 =	sshra.s32 s25, $0x2  }
0x39: {  	[sflag:s20] =	ssyncadd.s32 $0xFFFFC000;
	s25 =	smov.u32 s26;
	s29 =	sadd.s32 $0x200, s26  }
0x3a: {  	[tilespmem:s19], [sflag:$0x1] =	stream.indirect.gather [hbm4b:s4+s22], $0x80, s28, s22, $0xb8;
	[tilespmem:$0x1D000] =	vst v63  }
0x3b: {  	p0 =	sne.s32 s26, $0x9C00;
	_ =	swait.ge [sflag:s23], $0x4000  }
.Ltmp0:
0x3c: {  	[sflag:s23] =	ssyncset.done $0x0;
	(pc) =	sbr.rel @p0 .LBB2_2-.Ltmp0, $4  }
0x3d: {  	s26 =	sadd.s32 $0x2800, s28;
	[sflag:s23] =	ssyncadd.s32 $0xFFFFC000  }
0x3e: {  	[spmem:s2] =	stream.indirect.scatter.add.f32 [tilespmem:s19], [sflag:$0x2], $0x80, s26, s22, $0xb8;
	[tilespmem:$0x1D000] =	vst v63  }
0x3f: {  	_ =	swait.ge [sflag:s20], $0x4000  }
0x40: {  	s26 =	smov.u32 s29;
	[sflag:s20] =	ssyncset.done $0x0  }
0x41: {  	s25 =	sshra.s32 s25, $0x2;
	[sflag:s20] =	ssyncadd.s32 $0xFFFFC000  }
0x42: {  	[tilespmem:s19], [sflag:$0x1] =	stream.indirect.gather [hbm4b:s4+s22], $0x80, s25, s22, $0xb8;
	[tilespmem:$0x1D000] =	vst v63  }
0x43: {  	_ =	swait.ge [sflag:s23], $0x4000  }
0x44: {  	[sflag:s23] =	ssyncset.done $0x0  }
0x45: {  	s25 =	sadd.s32 $0x2800, s25;
	[sflag:s23] =	ssyncadd.s32 $0xFFFFC000  }
0x46: {  	[spmem:s2] =	stream.indirect.scatter.add.f32 [tilespmem:s19], [sflag:$0x2], $0x80, s25, s22, $0xb8;
	[tilespmem:$0x1D000] =	vst v63  }
0x47: {  	_ =	swait.ge [sflag:s20], $0x4000  }
0x48: {  	[sflag:s20] =	ssyncset.done $0x0  }
0x49: {  	[sflag:s20] =	ssyncadd.s32 $0xFFFFC000  }
0x4a: {  	[bflag:$0x0] =	sbarrier.arrive $0xFFFF  }
0x4b: {  	[tilespmem:s19], [sflag:$0x2] =	stream.linear.gather [spmem:s6], $0x4000, $0x38;
	[tilespmem:$0x1D000] =	vst v63  }
0x4c: {  	_ =	swait.ge [sflag:s20], $0x4000  }
0x4d: {  	[sflag:s20] =	ssyncset.done $0x0  }
0x4e: {  	[sflag:s20] =	ssyncadd.s32 $0xFFFFC000  }
0x4f: {  	[hbm4b:s14+s3] =	stream.linear.scatter [tilespmem:s19], [sflag:$0x2], $0x4000, $0x38;
	[tilespmem:$0x1D000] =	vst v63  }
0x50: {  	_ =	swait.ge [sflag:s20], $0x4000  }
0x51: {  	[sflag:s20] =	ssyncset.done $0x0  }
0x52: {  	[sflag:s20] =	ssyncadd.s32 $0xFFFFC000  }
0x53: {  	[tilespmem:s19], [sflag:$0x2] =	stream.linear.gather [spmem:s10], $0x4000, $0x38;
	[tilespmem:$0x1D000] =	vst v63  }
0x54: {  	_ =	swait.ge [sflag:s20], $0x4000  }
0x55: {  	[sflag:s20] =	ssyncset.done $0x0  }
0x56: {  	[sflag:s20] =	ssyncadd.s32 $0xFFFFC000  }
0x57: {  	[hbm4b:s15+s3] =	stream.linear.scatter [tilespmem:s19], [sflag:$0x2], $0x4000, $0x38;
	[tilespmem:$0x1D000] =	vst v63  }
0x58: {  	_ =	swait.ge [sflag:s20], $0x4000  }
0x59: {  	[sflag:s20] =	ssyncset.done $0x0  }
0x5a: {  	[sflag:s20] =	ssyncadd.s32 $0xFFFFC000  }
0x5b: {  	[tilespmem:s19], [sflag:$0x2] =	stream.linear.gather [spmem:s11], $0x4000, $0x38;
	[tilespmem:$0x1D000] =	vst v63  }
0x5c: {  	_ =	swait.ge [sflag:s20], $0x4000  }
0x5d: {  	[sflag:s20] =	ssyncset.done $0x0  }
0x5e: {  	[sflag:s20] =	ssyncadd.s32 $0xFFFFC000  }
0x5f: {  	[hbm4b:s16+s3] =	stream.linear.scatter [tilespmem:s19], [sflag:$0x2], $0x4000, $0x38;
	[tilespmem:$0x1D000] =	vst v63  }
0x60: {  	_ =	swait.ge [sflag:s20], $0x4000  }
0x61: {  	[sflag:s20] =	ssyncset.done $0x0  }
0x62: {  	[sflag:s20] =	ssyncadd.s32 $0xFFFFC000  }
0x63: {  	[tilespmem:s19], [sflag:$0x2] =	stream.linear.gather [spmem:s12], $0x4000, $0x38;
	[tilespmem:$0x1D000] =	vst v63  }
0x64: {  	_ =	swait.ge [sflag:s20], $0x4000  }
0x65: {  	[sflag:s20] =	ssyncset.done $0x0  }
0x66: {  	[sflag:s20] =	ssyncadd.s32 $0xFFFFC000  }
0x67: {  	[hbm4b:s17+s3] =	stream.linear.scatter [tilespmem:s19], [sflag:$0x2], $0x4000, $0x38;
	[tilespmem:$0x1D000] =	vst v63  }
0x68: {  	_ =	swait.ge [sflag:s20], $0x4000  }
0x69: {  	[sflag:s20] =	ssyncset.done $0x0  }
0x6a: {  	[sflag:s20] =	ssyncadd.s32 $0xFFFFC000  }
0x6b: {  	[tilespmem:s19], [sflag:$0x2] =	stream.linear.gather [spmem:s13], $0x4000, $0x38;
	[tilespmem:$0x1D000] =	vst v63  }
0x6c: {  	s24 =	sadd.s32 $0x1, s24;
	_ =	swait.ge [sflag:s20], $0x4000  }
0x6d: {  	p0 =	sne.s32 s24, s9;
	[sflag:s20] =	ssyncset.done $0x0  }
.Ltmp1:
0x6e: {  	[sflag:s20] =	ssyncadd.s32 $0xFFFFC000;
	(pc) =	sbr.rel @p0 .LBB2_1-.Ltmp1, $4  }
0x6f: {  	[hbm4b:s18+s3] =	stream.linear.scatter [tilespmem:s19], [sflag:$0x2], $0x4000, $0x38;
	[tilespmem:$0x1D000] =	vst v63  }
0x70: {  	_ =	swait.ge [sflag:s20], $0x4000  }
0x71: {  	[sflag:s20] =	ssyncset.done $0x0  }
0x72: {  	[sflag:s20] =	ssyncadd.s32 $0xFFFFC000  }
0x73: {  	_ =	sfence.sel $0x180000  }
0x74: {  	[bflag:$0x0] =	sbarrier.arrive $0xFFFF  }
0x75: {  	p0 =	sne.s32 s0, $0x0;
	_ =	strace $0x9000004D  }
0x76: {  	s0 =	sadd.s32 @!p0 $0x100000, s1;
	[bflag:$0x2] =	sbarrier.arrive $0xFFFF  }
0x77: {  	[sflag:s0] =	ssyncadd.tile.s32 @!p0 $0x1;
	_ =	shalt  }
.Lfunc_end2:
_tile_overlayer_lowered:
.L_overlay_start_2:
0x78: {  	(tag) =	ssettag $0x2  }
0x79: {  	s0 =	rddreg [dreg:$0x0];
	s2 =	stileid.u32  }
0x7a: {  	s1 =	rddreg [dreg:$0x1];
	p0 =	sne.s32 s2, $0x0  }
0x7b: {  	s3 =	rddreg [dreg:$0x2];
	[bflag:$0x3] =	sbarrier.arrive $0xFFFF;
	s2 =	simm.s32 @!p0 $0x1C02  }
0x7c: {  	[timem:s3], [sflag:s2] =	dma.local @!p0 [hbm:s0], s1  }
0x7d: {  	s0 =	simm.s32 @!p0 $0x2  }
0x7e: {  	_ =	swait.ge @!p0 [sflag:s0], s1  }
0x7f: {  	s1 =	ssub.s32 @!p0 $0x0, s1;
	[sflag:s0] =	ssyncset.done @!p0 $0x0  }
0x80: {  	[sflag:s0] =	ssyncadd.s32 @!p0 s1  }
0x81: {  	[bflag:$0x3] =	sbarrier.arrive $0xFFFF  }
0x82: {  	_ =	shalt  }

// kernel: kernel.9.cloned.1.call-start
scs
__scs_entry_jumppad:
0x0: {  	(pc) =	sbr.rel $0x88, $3  }
0x1: {  	(tag) =	ssettag $0x0;
	lr =	simm.s32 $0x1  }
0x2: {  	[smem:$0x3F88] =	sst lr;
	_ =	strace $0xD0000000  }
0x3: {  	_ = 	snop  }
0x4: {  	_ = 	snop  }
0x5: {  	_ = 	snop  }
0x6: {  	_ = 	snop  }
0x7: {  	_ = 	snop  }
__scs_overlays_trampoline_lowered:
0x8: {  	[smem:$0x3F97] =	sst s0  }
0x9: {  	[smem:$0x3F98] =	sst s1  }
0xa: {  	[smem:$0x3F99] =	sst s2  }
0xb: {  	[smem:$0x3F9A] =	sst s3  }
0xc: {  	[smem:$0x3F9B] =	sst s4  }
0xd: {  	[smem:$0x3F9C] =	sst s5  }
0xe: {  	[smem:$0x3F9D] =	sst s6  }
0xf: {  	[smem:$0x3F9E] =	sst s7  }
0x10: {  	[smem:$0x3F9F] =	sst s8  }
0x11: {  	[smem:$0x3FA0] =	sst s9;
	s0 =	simm.s32 @!p0 $0x0  }
0x12: {  	s1 =	sld [smem:$0x3F86];
	s0 =	simm.s32 @p0 $0x1  }
0x13: {  	[smem:$0x3FA1] =	sst s0;
	s0 =	simm.s32 @!p1 $0x0  }
0x14: {  	s2 =	sld [smem:$0x3F85];
	s0 =	simm.s32 @p1 $0x1  }
0x15: {  	[smem:$0x3FA2] =	sst s0;
	s0 =	simm.s32 @!p2 $0x0  }
0x16: {  	s3 =	sld [smem:$0x3FDB];
	s0 =	simm.s32 @p2 $0x1  }
0x17: {  	s4 =	simm.s32 $0x1BF5;
	[smem:$0x3FA4] =	sst s0  }
0x18: {  	s0 =	sld [smem:$0x3F87];
	_ =	swait.ge [sflag:s4], $0x0  }
0x19: {  	s7 =	sld [smem:$0x3F88]  }
0x1a: {  	s8 =	sadd.s32 $0xFFFFE003, lr  }
0x1b: {  	s9 =	sadd.s32 $0xFFFFFEF7, lr;
	s5 =	simm.s32 $0xFFFFFFFF;
	p2 =	slt.u32 s8, $0xFFFFF086  }
0x1c: {  	p1 =	slt.u32 s9, $0xF7A;
	s5 =	simm.s32 @!p2 $0x0  }
0x1d: {  	s5 =	simm.s32 @p1 $0x1;
	p0 =	seq.s32 s7, s2  }
0x1e: {  	s7 =	smul.u32 @!p0 $0xF7A, s2;
	p2 =	seq.s32 @!p0 s5, $0x0  }
0x1f: {  	s9 =	smul.u32 $0xF7A, s1;
	s8 =	simm.s32 @!p0 $0x1BF5;
	p2 =	por !p2, p0  }
0x20: {  	[sflag:s8] =	ssyncset.s32 @!p0 $0xFFFFF086;
	s6 =	sadd.s32 @!p0 s3, s7;
	s7 =	simm.s32 @!p0 $0x108  }
0x21: {  	s3 =	sadd.s32 s3, s9;
	s6 =	sadd.s32 @!p0 $0x88, s6;
	s7 =	simm.s32 @p2 $0x1082  }
0x22: {  	[simem:s7], [sflag:s8] =	dma.local @!p0 [hbm:s6], $0xF7A  }
0x23: {  	s9 =	sor.u32 $0xD0000000, s2;
	s6 =	simm.s32 $0x108;
	_ =	swait.ge @!p0 [sflag:s8], $0x0  }
0x24: {  	s3 =	sadd.s32 $0x88, s3;
	s6 =	simm.s32 @!p1 $0x1082;
	[sflag:s4] =	ssyncset.s32 $0xFFFFF086  }
0x25: {  	[simem:s6], [sflag:s4] =	dma.local [hbm:s3], $0xF7A  }
0x26: {  	[smem:$0x3F88] =	sst s1;
	(tag) =	ssettag s2;
	_ =	strace s9  }
0x27: {  	s1 =	sld [smem:$0x3F98]  }
0x28: {  	s2 =	sld [smem:$0x3F99]  }
0x29: {  	s4 =	sld [smem:$0x3F9B]  }
0x2a: {  	p0 =	seq.s32 s5, $0x0;
	s5 =	sld [smem:$0x3F9C]  }
0x2b: {  	s6 =	sld [smem:$0x3F9D]  }
0x2c: {  	s7 =	sld [smem:$0x3F9E]  }
0x2d: {  	s3 =	simm.s32 $0x108;
	s8 =	sld [smem:$0x3F9F]  }
0x2e: {  	s3 =	simm.s32 @!p0 $0x1082;
	s9 =	sld [smem:$0x3FA0]  }
0x2f: {  	lr =	sadd.s32 s0, s3;
	s0 =	sld [smem:$0x3F97]  }
0x30: {  	s3 =	sld [smem:$0x3F9A]  }
0x31: {  	[smem:$0x3FA3] =	sst s10  }
0x32: {  	s10 =	sld [smem:$0x3FA1];
	_ =	sdelay $0x3  }
0x33: {  	p0 =	seq.s32 s10, $0x1;
	s10 =	sld [smem:$0x3FA3];
	_ =	sdelay $0x3  }
0x34: {  	[smem:$0x3FA3] =	sst s10  }
0x35: {  	s10 =	sld [smem:$0x3FA2];
	_ =	sdelay $0x3  }
0x36: {  	p1 =	seq.s32 s10, $0x1;
	s10 =	sld [smem:$0x3FA3];
	_ =	sdelay $0x3  }
0x37: {  	[smem:$0x3FA3] =	sst s10  }
0x38: {  	s10 =	sld [smem:$0x3FA4]  }
0x39: {  	_ = 	snop;
	(pc) =	sbr.ind lr, $3  }
0x3a: {  	_ = 	snop  }
0x3b: {  	_ = 	snop  }
0x3c: {  	p2 =	seq.s32 s10, $0x1;
	s10 =	sld [smem:$0x3FA3]  }
0x3d: {  	_ =	shalt  }
0x3e: {  	_ =	shalt  }
0x3f: {  	_ =	shalt  }
0x40: {  	_ =	shalt  }
0x41: {  	_ =	shalt  }
0x42: {  	_ =	shalt  }
0x43: {  	_ =	shalt  }
0x44: {  	_ =	shalt  }
0x45: {  	_ =	shalt  }
0x46: {  	_ =	shalt  }
0x47: {  	_ =	shalt  }
0x48: {  	_ =	shalt  }
0x49: {  	_ =	shalt  }
0x4a: {  	_ =	shalt  }
0x4b: {  	_ =	shalt  }
0x4c: {  	_ =	shalt  }
0x4d: {  	_ =	shalt  }
0x4e: {  	_ =	shalt  }
0x4f: {  	_ =	shalt  }
0x50: {  	_ =	shalt  }
0x51: {  	_ =	shalt  }
0x52: {  	_ =	shalt  }
0x53: {  	_ =	shalt  }
0x54: {  	_ =	shalt  }
0x55: {  	_ =	shalt  }
0x56: {  	_ =	shalt  }
0x57: {  	_ =	shalt  }
0x58: {  	_ =	shalt  }
0x59: {  	_ =	shalt  }
0x5a: {  	_ =	shalt  }
0x5b: {  	_ =	shalt  }
0x5c: {  	_ =	shalt  }
0x5d: {  	_ =	shalt  }
0x5e: {  	_ =	shalt  }
0x5f: {  	_ =	shalt  }
0x60: {  	_ =	shalt  }
0x61: {  	_ =	shalt  }
0x62: {  	_ =	shalt  }
0x63: {  	_ =	shalt  }
0x64: {  	_ =	shalt  }
0x65: {  	_ =	shalt  }
0x66: {  	_ =	shalt  }
0x67: {  	_ =	shalt  }
0x68: {  	_ =	shalt  }
0x69: {  	_ =	shalt  }
0x6a: {  	_ =	shalt  }
0x6b: {  	_ =	shalt  }
0x6c: {  	_ =	shalt  }
0x6d: {  	_ =	shalt  }
0x6e: {  	_ =	shalt  }
0x6f: {  	_ =	shalt  }
0x70: {  	_ =	shalt  }
0x71: {  	_ =	shalt  }
0x72: {  	_ =	shalt  }
0x73: {  	_ =	shalt  }
0x74: {  	_ =	shalt  }
0x75: {  	_ =	shalt  }
0x76: {  	_ =	shalt  }
0x77: {  	_ =	shalt  }
0x78: {  	_ =	shalt  }
0x79: {  	_ =	shalt  }
0x7a: {  	_ =	shalt  }
0x7b: {  	_ =	shalt  }
0x7c: {  	_ =	shalt  }
0x7d: {  	_ =	shalt  }
0x7e: {  	_ =	shalt  }
0x7f: {  	_ =	shalt  }
0x80: {  	_ =	shalt  }
0x81: {  	_ =	shalt  }
0x82: {  	_ =	shalt  }
0x83: {  	_ =	shalt  }
0x84: {  	_ =	shalt  }
0x85: {  	_ =	shalt  }
0x86: {  	_ =	shalt  }
0x87: {  	_ =	shalt  }
.Lfunc_end0:
.L_simem_size_0:
called_computation_lowered:
.L_overlay_start_0:
0x88: {  	s2 =	sld [smem:$0x3FD9]  }
0x89: {  	s3 =	sld [smem:$0x3FFE];
	_ =	sdelay $0x1  }
0x8a: {  	s1 =	srdreg.scid  }
0x8b: {  	s0 =	sand.u32 $0x1, s1  }
0x8c: {  	s16 =	sshll.u32 s0, $0xA;
	s2 =	sadd.s32 s3, s2  }
0x8d: {  	s2 =	sadd.s32 s2, s16  }
0x8e: {  	[smem:$0x3FAF] =	sst s2  }
0x8f: {  	_ = 	snop  }
0x90: {  	(tm) =	ssettm $0x1  }
0x91: {  	s17 =	sld [smem:$0x3FFB];
	_ =	sdelay $0x3  }
0x92: {  	_ =	strace s17  }
0x93: {  	s2 =	sld [smem:$0x3FFC];
	_ =	sdelay $0x3  }
0x94: {  	_ =	strace s2  }
0x95: {  	s2 =	sld [smem:$0x3FFD];
	_ =	sdelay $0x3  }
0x96: {  	_ =	strace s2  }
0x97: {  	_ =	strace $0x8FFFFFFF  }
0x98: {  	s18 =	sld [smem:$0x3FDB];
	_ =	sdelay $0x1  }
0x99: {  	s19 =	simm.s32 $_scs_section_size  }
0x9a: {  	s4 =	simm.s32 $_size__tile_overlayer_lowered;
	s5 =	simm.s32 $_tile_overlayer_lowered  }
0x9b: {  	s22 =	simm.s32 $0x1BFF;
	s21 =	sshll.u32 s5, $0x1;
	s2 =	sadd.s32 s19, s18  }
0x9c: {  	s6 =	simm.s32 $0x0;
	s20 =	sshll.u32 s4, $0x1;
	s4 =	sadd.s32 s21, s2  }
0x9d: {  	[timem:s6], [sflag:s22] =	dma.local [hbm:s4], s20  }
0x9e: {  	_ =	swait.ge [sflag:s22], s20  }
0x9f: {  	s3 =	ssub.s32 $0x0, s20;
	[sflag:s22] =	ssyncset.done $0x0  }
0xa0: {  	[sflag:s22] =	ssyncadd.s32 s3;
	_ =	sdelay $0x1  }
0xa1: {  	s23 =	simm.s32 $0x1B8B  }
0xa2: {  	_ =	swait.ge [sflag:s23], $0x1  }
0xa3: {  	[sflag:s23] =	ssyncset.done $0x0  }
0xa4: {  	s25 =	simm.s32 $0x1B8E;
	s24 =	sld [smem:$0x3FFE];
	[sflag:s23] =	ssyncadd.s32 $0xFFFFFFFF  }
0xa5: {  	s26 =	simm.s32 $execute0_lowered;
	[smem:$0x3FD2] =	sst s25  }
0xa6: {  	s4 =	sshll.u32 s26, $0x1;
	_ =	strace $0x80000046;
	[dreg:$0x1] =	wrdreg $0xFFFFFFFF  }
0xa7: {  	s28 =	simm.s32 $_size_execute0_lowered;
	s2 =	sadd.s32 s2, s4;
	[dreg:$0x0] =	wrdreg $0x0  }
0xa8: {  	s4 =	sshll.u32 s28, $0x1;
	[dreg:$0x2] =	wrdreg s2  }
0xa9: {  	[dreg:$0x3] =	wrdreg s4  }
0xaa: {  	[dreg:$0x4] =	wrdreg $0xC0  }
0xab: {  	_ =	task [dreg:s6], $0x5FFFF  }
0xac: {  	[dreg:$0x1] =	wrdreg $0xFFFFFFFF  }
0xad: {  	[dreg:$0x0] =	wrdreg $0x60  }
0xae: {  	[dreg:$0x2] =	wrdreg s24  }
0xaf: {  	[dreg:$0x3] =	wrdreg $0x90000  }
0xb0: {  	[dreg:$0x4] =	wrdreg $0x9  }
0xb1: {  	_ =	task.clear_ibuf [dreg:s6], $0x5FFFF;
	_ =	strace $0x90000046  }
0xb2: {  	s29 =	simm.s32 $0x9;
	_ =	strace $0x80000048  }
0xb3: {  	_ =	swait.ge [sflag:s29], $0x1  }
0xb4: {  	[sflag:s29] =	ssyncadd.s32 $0xFFFFFFFF  }
0xb5: {  	_ =	strace $0x90000048  }
0xb6: {  	_ =	sfence  }
0xb7: {  	s30 =	sld [smem:$0x0];
	_ =	sdelay $0x2  }
0xb8: {  	s31 =	sshll.u32 s1, $0xD;
	s1 =	sshrl.u32 s1, $0x2  }
0xb9: {  	s3 =	sand.u32 $0x4000, s31;
	s1 =	sadd.s32 s1, s30  }
0xba: {  	s0 =	sor.u32 s3, s0;
	s1 =	sshll.u32 s1, $0x11  }
0xbb: {  	s0 =	sor.u32 s1, s0  }
0xbc: {  	s0 =	sadd.s32 $0x8F2B, s0  }
0xbd: {  	[sflag:s0] =	ssyncadd.remote.s32 $0x1  }
0xbe: {  	_ =	sfence.sel $0xFFFF  }
0xbf: {  	[dreg:$0x0] =	wrdreg $0xFFFFFFFF;
	(pc) =	sbr.abs _section_cstart, $3  }
0xc0: {  	[dreg:$0x1] =	wrdreg $0xFFFFFFFF  }
0xc1: {  	_ =	task.clear_ibuf [dreg:s6], $0x2FFFF;
	_ =	strace $0x9FFFFFFF  }
0xc2: {  	(tm) =	ssettm $0x7FFFFFFF  }
0xc3: {  	_ =	shalt  }
tec
execute0_lowered:
.L_overlay_start_1:
0x0: {  	(tag) =	ssettag $0x1  }
0x1: {  	s0 =	srdreg.scid;
	s7 =	rddreg [dreg:$0x0]  }
0x2: {  	s2 =	rddreg [dreg:$0x1];
	s3 =	simm.s32 $0x0;
	s19 =	simm.s32 $0x5000  }
0x3: {  	s20 =	simm.s32 $0x2;
	s6 =	sand.u32 $0x1, s0;
	s0 =	stileid.u32  }
0x4: {  	s21 =	simm.s32 $0x2800;
	s22 =	simm.s32 $0x80;
	s8 =	smul.u32 $0x280, s0  }
0x5: {  	s23 =	simm.s32 $0x1;
	s24 =	simm.s32 $0x0;
	s9 =	smul.u32 $0x2800, s6  }
0x6: {  	[smem:$0x7FF] =	sst s3;
	s1 =	sshll.u32 s6, $0x4;
	s11 =	smul.u32 $0x50000, s0  }
0x7: {  	s6 =	ssub.s32 $0x2, s6;
	s4 =	sor.u32 s0, s1;
	s1 =	rddreg [dreg:$0x2]  }
0x8: {  	_ =	strace $0x80000047;
	s31 =	sshrl.u32 s6, $0x1;
	s5 =	smul.u32 $0x500, s4  }
0x9: {  	s4 =	sadd.s32 $0x19000, s7;
	s8 =	sadd.s32 s9, s8;
	s11 =	sshrl.u32 s11, $0x2  }
0xa: {  	s9 =	ssub.s32 s6, s31;
	s8 =	sshll.u32 s8, $0x4;
	s6 =	sadd.s32 s11, s2  }
0xb: {  	s9 =	smax.u32 s9, $0x1;
	s10 =	sadd.s32 s5, s7;
	s5 =	sadd.s32 $0x41000, s7  }
0xc: {  	s18 =	sadd.s32 s8, s7;
	s11 =	sadd.s32 $0x8000, s6;
	s12 =	sadd.s32 $0xC000, s6  }
0xd: {  	s13 =	sadd.s32 $0x10000, s6;
	s7 =	sadd.s32 $0x5000, s10;
	s8 =	sadd.s32 $0xF000, s10  }
0xe: {  	s10 =	sadd.s32 $0x4000, s6;
	s14 =	sadd.s32 $0x41800, s18;
	s15 =	sadd.s32 $0x42000, s18  }
0xf: {  	s16 =	sadd.s32 $0x42800, s18;
	s17 =	sadd.s32 $0x43000, s18;
	s18 =	sadd.s32 $0x43800, s18  }
.LBB2_1:
0x10: {  	[tilespmem:s19], [sflag:$0x2] =	stream.linear.gather [hbm4b:s5+s3], $0x4000, $0x38;
	[tilespmem:$0x1D000] =	vst v63  }
0x11: {  	_ =	swait.ge [sflag:s20], $0x4000  }
0x12: {  	[sflag:s20] =	ssyncset.done $0x0  }
0x13: {  	[sflag:s20] =	ssyncadd.s32 $0xFFFFC000  }
0x14: {  	[spmem:s6] =	stream.linear.scatter [tilespmem:s19], [sflag:$0x2], $0x4000, $0x38;
	[tilespmem:$0x1D000] =	vst v63  }
0x15: {  	_ =	swait.ge [sflag:s20], $0x4000  }
0x16: {  	[sflag:s20] =	ssyncset.done $0x0  }
0x17: {  	[sflag:s20] =	ssyncadd.s32 $0xFFFFC000  }
0x18: {  	[spmem:s10] =	stream.linear.scatter [tilespmem:s19], [sflag:$0x2], $0x4000, $0x38;
	[tilespmem:$0x1D000] =	vst v63  }
0x19: {  	_ =	swait.ge [sflag:s20], $0x4000  }
0x1a: {  	[sflag:s20] =	ssyncset.done $0x0  }
0x1b: {  	[sflag:s20] =	ssyncadd.s32 $0xFFFFC000  }
0x1c: {  	[spmem:s11] =	stream.linear.scatter [tilespmem:s19], [sflag:$0x2], $0x4000, $0x38;
	[tilespmem:$0x1D000] =	vst v63  }
0x1d: {  	_ =	swait.ge [sflag:s20], $0x4000  }
0x1e: {  	[sflag:s20] =	ssyncset.done $0x0  }
0x1f: {  	[sflag:s20] =	ssyncadd.s32 $0xFFFFC000  }
0x20: {  	[spmem:s12] =	stream.linear.scatter [tilespmem:s19], [sflag:$0x2], $0x4000, $0x38;
	[tilespmem:$0x1D000] =	vst v63  }
0x21: {  	_ =	swait.ge [sflag:s20], $0x4000  }
0x22: {  	[sflag:s20] =	ssyncset.done $0x0  }
0x23: {  	[sflag:s20] =	ssyncadd.s32 $0xFFFFC000  }
0x24: {  	[spmem:s13] =	stream.linear.scatter [tilespmem:s19], [sflag:$0x2], $0x4000, $0x38;
	[tilespmem:$0x1D000] =	vst v63  }
0x25: {  	_ =	swait.ge [sflag:s20], $0x4000  }
0x26: {  	[sflag:s20] =	ssyncset.done $0x0  }
0x27: {  	[sflag:s20] =	ssyncadd.s32 $0xFFFFC000  }
0x28: {  	[tilespmem:s3], [sflag:$0x2] =	stream.linear.gather [hbm4b:s7+s3], $0x2780, $0x38;
	[tilespmem:$0x1D000] =	vst v63  }
0x29: {  	_ =	swait.ge [sflag:s20], $0x2780  }
0x2a: {  	[sflag:s20] =	ssyncset.done $0x0  }
0x2b: {  	[sflag:s20] =	ssyncadd.s32 $0xFFFFD880  }
0x2c: {  	[tilespmem:s21], [sflag:$0x2] =	stream.linear.gather [hbm4b:s8+s3], $0x2780, $0x38;
	[tilespmem:$0x1D000] =	vst v63  }
0x2d: {  	_ =	swait.ge [sflag:s20], $0x2780  }
0x2e: {  	[sflag:s20] =	ssyncset.done $0x0  }
0x2f: {  	[sflag:s20] =	ssyncadd.s32 $0xFFFFD880  }
0x30: {  	s25 =	simm.s32 $0x0;
	[bflag:$0x0] =	sbarrier.arrive $0xFFFF  }
0x31: {  	[tilespmem:s19], [sflag:$0x1] =	stream.indirect.gather [hbm4b:s4+s22], $0x80, s25, s22, $0xb8;
	[tilespmem:$0x1D000] =	vst v63  }
0x32: {  	_ =	swait.ge [sflag:s23], $0x4000  }
0x33: {  	[sflag:s23] =	ssyncset.done $0x0  }
0x34: {  	s31 =	simm.s32 $0x2800;
	[sflag:s23] =	ssyncadd.s32 $0xFFFFC000  }
0x35: {  	[spmem:s2] =	stream.indirect.scatter.add.f32 [tilespmem:s19], [sflag:$0x2], $0x80, s31, s22, $0xb8;
	[tilespmem:$0x1D000] =	vst v63  }
0x36: {  	_ =	swait.ge [sflag:s20], $0x4000  }
0x37: {  	s26 =	simm.s32 $0x400;
	s25 =	simm.s32 $0x200;
	[sflag:s20] =	ssyncset.done $0x0  }
.LBB2_2:
0x38: {  	s28 =	sshra.s32 s25, $0x2  }
0x39: {  	[sflag:s20] =	ssyncadd.s32 $0xFFFFC000;
	s25 =	smov.u32 s26;
	s29 =	sadd.s32 $0x200, s26  }
0x3a: {  	[tilespmem:s19], [sflag:$0x1] =	stream.indirect.gather [hbm4b:s4+s22], $0x80, s28, s22, $0xb8;
	[tilespmem:$0x1D000] =	vst v63  }
0x3b: {  	p0 =	sne.s32 s26, $0x9C00;
	_ =	swait.ge [sflag:s23], $0x4000  }
.Ltmp0:
0x3c: {  	[sflag:s23] =	ssyncset.done $0x0;
	(pc) =	sbr.rel @p0 .LBB2_2-.Ltmp0, $4  }
0x3d: {  	s26 =	sadd.s32 $0x2800, s28;
	[sflag:s23] =	ssyncadd.s32 $0xFFFFC000  }
0x3e: {  	[spmem:s2] =	stream.indirect.scatter.add.f32 [tilespmem:s19], [sflag:$0x2], $0x80, s26, s22, $0xb8;
	[tilespmem:$0x1D000] =	vst v63  }
0x3f: {  	_ =	swait.ge [sflag:s20], $0x4000  }
0x40: {  	s26 =	smov.u32 s29;
	[sflag:s20] =	ssyncset.done $0x0  }
0x41: {  	s25 =	sshra.s32 s25, $0x2;
	[sflag:s20] =	ssyncadd.s32 $0xFFFFC000  }
0x42: {  	[tilespmem:s19], [sflag:$0x1] =	stream.indirect.gather [hbm4b:s4+s22], $0x80, s25, s22, $0xb8;
	[tilespmem:$0x1D000] =	vst v63  }
0x43: {  	_ =	swait.ge [sflag:s23], $0x4000  }
0x44: {  	[sflag:s23] =	ssyncset.done $0x0  }
0x45: {  	s25 =	sadd.s32 $0x2800, s25;
	[sflag:s23] =	ssyncadd.s32 $0xFFFFC000  }
0x46: {  	[spmem:s2] =	stream.indirect.scatter.add.f32 [tilespmem:s19], [sflag:$0x2], $0x80, s25, s22, $0xb8;
	[tilespmem:$0x1D000] =	vst v63  }
0x47: {  	_ =	swait.ge [sflag:s20], $0x4000  }
0x48: {  	[sflag:s20] =	ssyncset.done $0x0  }
0x49: {  	[sflag:s20] =	ssyncadd.s32 $0xFFFFC000  }
0x4a: {  	[bflag:$0x0] =	sbarrier.arrive $0xFFFF  }
0x4b: {  	[tilespmem:s19], [sflag:$0x2] =	stream.linear.gather [spmem:s6], $0x4000, $0x38;
	[tilespmem:$0x1D000] =	vst v63  }
0x4c: {  	_ =	swait.ge [sflag:s20], $0x4000  }
0x4d: {  	[sflag:s20] =	ssyncset.done $0x0  }
0x4e: {  	[sflag:s20] =	ssyncadd.s32 $0xFFFFC000  }
0x4f: {  	[hbm4b:s14+s3] =	stream.linear.scatter [tilespmem:s19], [sflag:$0x2], $0x4000, $0x38;
	[tilespmem:$0x1D000] =	vst v63  }
0x50: {  	_ =	swait.ge [sflag:s20], $0x4000  }
0x51: {  	[sflag:s20] =	ssyncset.done $0x0  }
0x52: {  	[sflag:s20] =	ssyncadd.s32 $0xFFFFC000  }
0x53: {  	[tilespmem:s19], [sflag:$0x2] =	stream.linear.gather [spmem:s10], $0x4000, $0x38;
	[tilespmem:$0x1D000] =	vst v63  }
0x54: {  	_ =	swait.ge [sflag:s20], $0x4000  }
0x55: {  	[sflag:s20] =	ssyncset.done $0x0  }
0x56: {  	[sflag:s20] =	ssyncadd.s32 $0xFFFFC000  }
0x57: {  	[hbm4b:s15+s3] =	stream.linear.scatter [tilespmem:s19], [sflag:$0x2], $0x4000, $0x38;
	[tilespmem:$0x1D000] =	vst v63  }
0x58: {  	_ =	swait.ge [sflag:s20], $0x4000  }
0x59: {  	[sflag:s20] =	ssyncset.done $0x0  }
0x5a: {  	[sflag:s20] =	ssyncadd.s32 $0xFFFFC000  }
0x5b: {  	[tilespmem:s19], [sflag:$0x2] =	stream.linear.gather [spmem:s11], $0x4000, $0x38;
	[tilespmem:$0x1D000] =	vst v63  }
0x5c: {  	_ =	swait.ge [sflag:s20], $0x4000  }
0x5d: {  	[sflag:s20] =	ssyncset.done $0x0  }
0x5e: {  	[sflag:s20] =	ssyncadd.s32 $0xFFFFC000  }
0x5f: {  	[hbm4b:s16+s3] =	stream.linear.scatter [tilespmem:s19], [sflag:$0x2], $0x4000, $0x38;
	[tilespmem:$0x1D000] =	vst v63  }
0x60: {  	_ =	swait.ge [sflag:s20], $0x4000  }
0x61: {  	[sflag:s20] =	ssyncset.done $0x0  }
0x62: {  	[sflag:s20] =	ssyncadd.s32 $0xFFFFC000  }
0x63: {  	[tilespmem:s19], [sflag:$0x2] =	stream.linear.gather [spmem:s12], $0x4000, $0x38;
	[tilespmem:$0x1D000] =	vst v63  }
0x64: {  	_ =	swait.ge [sflag:s20], $0x4000  }
0x65: {  	[sflag:s20] =	ssyncset.done $0x0  }
0x66: {  	[sflag:s20] =	ssyncadd.s32 $0xFFFFC000  }
0x67: {  	[hbm4b:s17+s3] =	stream.linear.scatter [tilespmem:s19], [sflag:$0x2], $0x4000, $0x38;
	[tilespmem:$0x1D000] =	vst v63  }
0x68: {  	_ =	swait.ge [sflag:s20], $0x4000  }
0x69: {  	[sflag:s20] =	ssyncset.done $0x0  }
0x6a: {  	[sflag:s20] =	ssyncadd.s32 $0xFFFFC000  }
0x6b: {  	[tilespmem:s19], [sflag:$0x2] =	stream.linear.gather [spmem:s13], $0x4000, $0x38;
	[tilespmem:$0x1D000] =	vst v63  }
0x6c: {  	s24 =	sadd.s32 $0x1, s24;
	_ =	swait.ge [sflag:s20], $0x4000  }
0x6d: {  	p0 =	sne.s32 s24, s9;
	[sflag:s20] =	ssyncset.done $0x0  }
.Ltmp1:
0x6e: {  	[sflag:s20] =	ssyncadd.s32 $0xFFFFC000;
	(pc) =	sbr.rel @p0 .LBB2_1-.Ltmp1, $4  }
0x6f: {  	[hbm4b:s18+s3] =	stream.linear.scatter [tilespmem:s19], [sflag:$0x2], $0x4000, $0x38;
	[tilespmem:$0x1D000] =	vst v63  }
0x70: {  	_ =	swait.ge [sflag:s20], $0x4000  }
0x71: {  	[sflag:s20] =	ssyncset.done $0x0  }
0x72: {  	[sflag:s20] =	ssyncadd.s32 $0xFFFFC000  }
0x73: {  	_ =	sfence.sel $0x180000  }
0x74: {  	[bflag:$0x0] =	sbarrier.arrive $0xFFFF  }
0x75: {  	p0 =	sne.s32 s0, $0x0;
	_ =	strace $0x90000047  }
0x76: {  	s0 =	sadd.s32 @!p0 $0x100000, s1;
	[bflag:$0x2] =	sbarrier.arrive $0xFFFF  }
0x77: {  	[sflag:s0] =	ssyncadd.tile.s32 @!p0 $0x1;
	_ =	shalt  }
.Lfunc_end2:
_tile_overlayer_lowered:
.L_overlay_start_2:
0x78: {  	(tag) =	ssettag $0x2  }
0x79: {  	s0 =	rddreg [dreg:$0x0];
	s2 =	stileid.u32  }
0x7a: {  	s1 =	rddreg [dreg:$0x1];
	p0 =	sne.s32 s2, $0x0  }
0x7b: {  	s3 =	rddreg [dreg:$0x2];
	[bflag:$0x3] =	sbarrier.arrive $0xFFFF;
	s2 =	simm.s32 @!p0 $0x1C02  }
0x7c: {  	[timem:s3], [sflag:s2] =	dma.local @!p0 [hbm:s0], s1  }
0x7d: {  	s0 =	simm.s32 @!p0 $0x2  }
0x7e: {  	_ =	swait.ge @!p0 [sflag:s0], s1  }
0x7f: {  	s1 =	ssub.s32 @!p0 $0x0, s1;
	[sflag:s0] =	ssyncset.done @!p0 $0x0  }
0x80: {  	[sflag:s0] =	ssyncadd.s32 @!p0 s1  }
0x81: {  	[bflag:$0x3] =	sbarrier.arrive $0xFFFF  }
0x82: {  	_ =	shalt  }

</sc_bundles>
